<compile_context>
chip_gen: v7x
topology: tpu7x:2x2x1
jax: 0.10.2.dev20260603
libtpu: 0.0.44.dev20260713+nightly
codegen_flags: <defaults>
</compile_context>

<pallas_src>
import numpy as np
import jax
import jax.numpy as jnp
from jax.experimental import pallas as pl
from jax.experimental.pallas import tpu as pltpu

B = 512
D = 64
HB = B // 2
NTAB = 256
NSC = 32

CI = 16
NCHUNK = B // CI
NBUF = 8
SLAB = HB * 128
CHUNK = CI * SLAB


def _bounds_tail() -> np.ndarray:
    parts = [np.array([-np.inf, 0.0], dtype=np.float32)]
    for lo, hi in [(-15, -10), (-10, -5), (-5, 0), (0, 5), (5, 10), (10, 15)]:
        parts.append(np.logspace(lo, hi, 128 // 6).astype(np.float32))
    b = np.unique(np.concatenate(parts))
    with np.errstate(invalid="ignore"):
        bd = np.log1p(b).astype(np.float32)
    tail = bd[1:]
    out = np.full((1, 128), np.inf, dtype=np.float32)
    out[0, : tail.shape[0]] = tail
    return out


_BOUNDS = _bounds_tail()

_HIGH = jax.lax.Precision.HIGHEST


def _gelu(x):
    return 0.5 * x * (1.0 + jax.lax.erf(x * np.float32(1.0 / np.sqrt(2.0))))


def _ln(x, g, b, eps=1e-5):
    m = jnp.mean(x, axis=-1, keepdims=True)
    v = jnp.mean((x - m) * (x - m), axis=-1, keepdims=True)
    return (x - m) * jax.lax.rsqrt(v + eps) * g + b


def _dotc(a, bmat, ca, cb):
    return jax.lax.dot_general(a, bmat, (((ca,), (cb,)), ((), ())),
                               precision=_HIGH)


def _kernel(number_ref, mag_table_ref, scale_table_ref, w1_ref, b1_ref, g1_ref,
            be1_ref, w2_ref, b2_ref, g2_ref, be2_ref, mag_scale_ref, temp_ref,
            bounds_ref, out_ref, m2_s, s2_s, fe_s, fo_s, buf_s, sem):
    k = pl.program_id(0)

    @pl.when(k == 0)
    def prologue():
        num = number_ref[...]
        signs = jnp.sign(num)
        a = jnp.abs(num)
        log_abs = jnp.log1p(a + 1e-15)
        scale_factor = jnp.floor(jnp.log10(a + 1e-15))
        scale_idx = jnp.clip(scale_factor + 16.0, 0.0, 31.0).astype(jnp.int32)

        feats = jnp.concatenate([log_abs, signs, num, scale_factor], axis=1)
        h = jnp.dot(feats, w1_ref[...].T, precision=_HIGH) + b1_ref[...]
        h = _ln(h, g1_ref[...], be1_ref[...])
        h = _gelu(h)
        h = jnp.dot(h, w2_ref[...].T, precision=_HIGH) + b2_ref[...]
        h = _ln(h, g2_ref[...], be2_ref[...])
        numerical = _gelu(h)

        bin_idx = 1 + jnp.sum(
            (bounds_ref[...] < log_abs).astype(jnp.int32), axis=1, keepdims=True
        )

        cols_tab = jax.lax.broadcasted_iota(jnp.int32, (B, NTAB), 1)
        oh_tab = (bin_idx == cols_tab).astype(jnp.float32)
        mag = jnp.dot(oh_tab, mag_table_ref[...], precision=_HIGH)
        sc_raw = jnp.dot(oh_tab, mag_scale_ref[...], precision=_HIGH)

        cols_sc = jax.lax.broadcasted_iota(jnp.int32, (B, NSC), 1)
        oh_sc = (scale_idx == cols_sc).astype(jnp.float32)
        s = jnp.dot(oh_sc, scale_table_ref[...], precision=_HIGH)

        scale = jax.nn.softplus(sc_raw / temp_ref[...])
        m = mag + numerical

        r_jj = jax.lax.broadcasted_iota(jnp.int32, (HB, B), 0)
        r_j = jax.lax.broadcasted_iota(jnp.int32, (HB, B), 1)
        se = (r_j == 2 * r_jj).astype(jnp.float32)
        so = (r_j == 2 * r_jj + 1).astype(jnp.float32)

        m_even = jnp.dot(se, m, precision=_HIGH)
        m_odd = jnp.dot(so, m, precision=_HIGH)
        m2_s[...] = jnp.concatenate([m_even, m_odd], axis=1)
        s2_s[...] = jnp.concatenate([s, s], axis=1)

        mm = jnp.sum(m * m, axis=1, keepdims=True)
        ss_row = jnp.sum(s * s, axis=1, keepdims=True).T
        mm_e = jnp.dot(se, mm, precision=_HIGH)
        mm_o = jnp.dot(so, mm, precision=_HIGH)
        sc_e = jnp.dot(se, scale, precision=_HIGH)
        sc_o = jnp.dot(so, scale, precision=_HIGH)
        g_e = _dotc(m_even, s, 1, 1)
        g_o = _dotc(m_odd, s, 1, 1)

        t_e = jnp.sqrt(jnp.maximum(mm_e + 2.0 * g_e + ss_row, 0.0))
        t_o = jnp.sqrt(jnp.maximum(mm_o + 2.0 * g_o + ss_row, 0.0))
        fe_s[...] = (sc_e / jnp.maximum(sc_e * t_e, 1e-12)).T
        fo_s[...] = (sc_o / jnp.maximum(sc_o * t_o, 1e-12)).T

    slot = jax.lax.rem(k, NBUF)

    @pl.when(k >= NBUF)
    def wait_prev():
        pltpu.make_async_copy(
            buf_s.at[slot],
            out_ref.at[pl.ds((k - NBUF) * CHUNK, CHUNK)],
            sem.at[slot],
        ).wait()

    i0 = k * CI
    lane = jax.lax.broadcasted_iota(jnp.int32, (HB, 128), 1)
    m2 = m2_s[...]
    fe_t = fe_s[pl.ds(i0, CI), :].T
    fo_t = fo_s[pl.ds(i0, CI), :].T
    for i in range(CI):
        fcol = jnp.where(lane < 64,
                         jax.lax.slice(fe_t, (0, i), (HB, i + 1)),
                         jax.lax.slice(fo_t, (0, i), (HB, i + 1)))
        slab = (m2 + s2_s[pl.ds(i0 + i, 1), :]) * fcol
        buf_s[slot, pl.ds(i * SLAB, SLAB)] = slab.reshape(SLAB)

    pltpu.make_async_copy(
        buf_s.at[slot],
        out_ref.at[pl.ds(k * CHUNK, CHUNK)],
        sem.at[slot],
    ).start()

    @pl.when(k == NCHUNK - 1)
    def drain():
        for c in range(NCHUNK - NBUF, NCHUNK):
            pltpu.make_async_copy(
                buf_s.at[c % NBUF],
                out_ref.at[pl.ds(c * CHUNK, CHUNK)],
                sem.at[c % NBUF],
            ).wait()


@jax.jit
def kernel(number, mag_table, scale_table, W1, b1, g1, be1, W2, b2, g2, be2,
           mag_scale, temperature):
    def full(shape):
        return pl.BlockSpec(shape, lambda i: (0,) * len(shape))

    in_specs = [
        full((B, 1)),
        full((NTAB, D)),
        full((NSC, D)),
        full((D, 4)),
        full((1, D)),
        full((1, D)),
        full((1, D)),
        full((D, D)),
        full((1, D)),
        full((1, D)),
        full((1, D)),
        full((NTAB, 1)),
        full((1, 1)),
        full((1, 128)),
    ]
    out = pl.pallas_call(
        _kernel,
        grid=(NCHUNK,),
        in_specs=in_specs,
        out_specs=pl.BlockSpec(memory_space=pl.ANY),
        out_shape=jax.ShapeDtypeStruct((B * B * D,), jnp.float32),
        scratch_shapes=[
            pltpu.VMEM((HB, 128), jnp.float32),
            pltpu.VMEM((B, 128), jnp.float32),
            pltpu.VMEM((B, HB), jnp.float32),
            pltpu.VMEM((B, HB), jnp.float32),
            pltpu.VMEM((NBUF, CHUNK), jnp.float32),
            pltpu.SemaphoreType.DMA((NBUF,)),
        ],
        compiler_params=pltpu.CompilerParams(
            dimension_semantics=("arbitrary",),
        ),
    )(
        number, mag_table, scale_table, W1,
        b1.reshape(1, D), g1.reshape(1, D), be1.reshape(1, D), W2,
        b2.reshape(1, D), g2.reshape(1, D), be2.reshape(1, D),
        mag_scale.reshape(NTAB, 1), temperature.reshape(1, 1),
        jnp.asarray(_BOUNDS),
    )
    return out.reshape(B, B, D)

# --- scband reference (transcript-rebuilt; emitter-appended) ---
"""Pipeline reference for scband-magnitude-aware-encoding-78589311582475 (READ-ONLY COPY).

The authoritative reference and input builder live on the scoring server;
editing this copy changes nothing except your own understanding.
"""

import jax, jax.numpy as jnp
import numpy as np

B = 512
EMBED_DIM = 64
NUM_BINS = 128


def _bin_boundaries_log1p():
    parts = [np.array([-np.inf, 0.0], dtype=np.float32)]
    for lo, hi in [(-15, -10), (-10, -5), (-5, 0), (0, 5), (5, 10), (10, 15)]:
        parts.append(np.logspace(lo, hi, NUM_BINS // 6).astype(np.float32))
    b = np.unique(np.concatenate(parts))
    return np.log1p(b).astype(np.float32)


def _ln(x, g, b, eps=1e-5):
    m = jnp.mean(x, axis=-1, keepdims=True)
    v = jnp.var(x, axis=-1, keepdims=True)
    return (x - m) / jnp.sqrt(v + eps) * g + b


def setup_inputs(seed: int = 0):
    key = jax.random.key(seed)
    ks = [jax.random.fold_in(key, i) for i in range(10)]
    number = jax.random.normal(ks[0], (B, 1), dtype=jnp.float32)
    mag_table = jax.random.normal(ks[1], (NUM_BINS * 2, EMBED_DIM), dtype=jnp.float32)
    scale_table = jax.random.normal(ks[2], (32, EMBED_DIM), dtype=jnp.float32)
    W1 = jax.random.uniform(ks[3], (EMBED_DIM, 4), minval=-0.5, maxval=0.5, dtype=jnp.float32)
    b1 = jax.random.uniform(ks[4], (EMBED_DIM,), minval=-0.5, maxval=0.5, dtype=jnp.float32)
    g1 = jnp.ones((EMBED_DIM,), jnp.float32)
    be1 = jnp.zeros((EMBED_DIM,), jnp.float32)
    lim = 1.0 / np.sqrt(EMBED_DIM)
    W2 = jax.random.uniform(ks[5], (EMBED_DIM, EMBED_DIM), minval=-lim, maxval=lim, dtype=jnp.float32)
    b2 = jax.random.uniform(ks[6], (EMBED_DIM,), minval=-lim, maxval=lim, dtype=jnp.float32)
    g2 = jnp.ones((EMBED_DIM,), jnp.float32)
    be2 = jnp.zeros((EMBED_DIM,), jnp.float32)
    mag_scale = jnp.ones((NUM_BINS * 2,), jnp.float32)
    temperature = jnp.array(1.0, jnp.float32)
    return {
        "number": number,
        "mag_table": mag_table,
        "scale_table": scale_table,
        "W1": W1, "b1": b1, "g1": g1, "be1": be1,
        "W2": W2, "b2": b2, "g2": g2, "be2": be2,
        "mag_scale": mag_scale,
        "temperature": temperature,
    }


def reference(number, mag_table, scale_table, W1, b1, g1, be1, W2, b2, g2, be2, mag_scale, temperature):
    signs = jnp.sign(number)
    abs_num = jnp.abs(number)
    log_abs = jnp.log1p(abs_num + 1e-15)
    scale_factor = jnp.floor(jnp.log10(abs_num + 1e-15))
    scale_idx = jnp.clip(scale_factor + 16.0, 0, 31).astype(jnp.int32)
    scale_emb = jnp.take(scale_table, scale_idx, axis=0)  # [B,1,D]
    features = jnp.concatenate([log_abs, signs, number, scale_factor], axis=-1)  # [B,4]
    h = features @ W1.T + b1
    h = _ln(h, g1, be1)
    h = jax.nn.gelu(h, approximate=False)
    h = h @ W2.T + b2
    h = _ln(h, g2, be2)
    numerical = jax.nn.gelu(h, approximate=False)  # [B,D]
    boundaries = jnp.asarray(_bin_boundaries_log1p())
    bin_idx = jnp.clip(jnp.searchsorted(boundaries, log_abs, side='left'), 0, NUM_BINS * 2 - 1)  # [B,1]
    bi = bin_idx[..., 0]  # [B]
    magnitude_emb = jnp.take(mag_table, bi, axis=0)  # [B,D]
    scale = jax.nn.softplus(jnp.take(mag_scale, bi, axis=0) / temperature)[..., None]  # [B,1]
    output = (magnitude_emb + numerical + scale_emb) * scale  # broadcasts to [B,B,D] (faithful to torch)
    output = jnp.where(jnp.isnan(output), jnp.zeros_like(output), output)
    nrm = jnp.sqrt(jnp.sum(output * output, axis=-1, keepdims=True))
    return output / jnp.maximum(nrm, 1e-12)

if __name__ == "__main__":
    import jax
    _d = setup_inputs()
    print(jax.jit(kernel)(*tuple(_d.values())))

</pallas_src>

<mosaic_0001>
module attributes {stable_mosaic.version = 14 : i64} {
  func.func @_kernel(%arg0: i32, %arg1: memref<512x1xf32, #tpu.memory_space<vmem>>, %arg2: memref<256x64xf32, #tpu.memory_space<vmem>>, %arg3: memref<32x64xf32, #tpu.memory_space<vmem>>, %arg4: memref<64x4xf32, #tpu.memory_space<vmem>>, %arg5: memref<1x64xf32, #tpu.memory_space<vmem>>, %arg6: memref<1x64xf32, #tpu.memory_space<vmem>>, %arg7: memref<1x64xf32, #tpu.memory_space<vmem>>, %arg8: memref<64x64xf32, #tpu.memory_space<vmem>>, %arg9: memref<1x64xf32, #tpu.memory_space<vmem>>, %arg10: memref<1x64xf32, #tpu.memory_space<vmem>>, %arg11: memref<1x64xf32, #tpu.memory_space<vmem>>, %arg12: memref<256x1xf32, #tpu.memory_space<vmem>>, %arg13: memref<1x1xf32, #tpu.memory_space<vmem>>, %arg14: memref<1x128xf32, #tpu.memory_space<vmem>>, %arg15: memref<16777216xf32, #tpu.memory_space<any>>, %arg16: memref<256x128xf32, #tpu.memory_space<vmem>>, %arg17: memref<512x128xf32, #tpu.memory_space<vmem>>, %arg18: memref<512x256xf32, #tpu.memory_space<vmem>>, %arg19: memref<512x256xf32, #tpu.memory_space<vmem>>, %arg20: memref<8x524288xf32, #tpu.memory_space<vmem>>, %arg21: memref<8x!tpu.dma_semaphore, #tpu.memory_space<semaphore_mem>>) attributes {dimension_semantics = [#tpu.dimension_semantics<arbitrary>], iteration_bounds = array<i64: 32>, scalar_prefetch = 0 : i64, scratch_operands = 6 : i64, tpu.core_type = #tpu.core_type<tc>, window_params = [{pipeline_mode = #tpu.pipeline_mode<synchronous>, transform_indices = @transform_0, window_bounds = array<i64: 512, 1>}, {pipeline_mode = #tpu.pipeline_mode<synchronous>, transform_indices = @transform_1, window_bounds = array<i64: 256, 64>}, {pipeline_mode = #tpu.pipeline_mode<synchronous>, transform_indices = @transform_2, window_bounds = array<i64: 32, 64>}, {pipeline_mode = #tpu.pipeline_mode<synchronous>, transform_indices = @transform_3, window_bounds = array<i64: 64, 4>}, {pipeline_mode = #tpu.pipeline_mode<synchronous>, transform_indices = @transform_4, window_bounds = array<i64: 1, 64>}, {pipeline_mode = #tpu.pipeline_mode<synchronous>, transform_indices = @transform_5, window_bounds = array<i64: 1, 64>}, {pipeline_mode = #tpu.pipeline_mode<synchronous>, transform_indices = @transform_6, window_bounds = array<i64: 1, 64>}, {pipeline_mode = #tpu.pipeline_mode<synchronous>, transform_indices = @transform_7, window_bounds = array<i64: 64, 64>}, {pipeline_mode = #tpu.pipeline_mode<synchronous>, transform_indices = @transform_8, window_bounds = array<i64: 1, 64>}, {pipeline_mode = #tpu.pipeline_mode<synchronous>, transform_indices = @transform_9, window_bounds = array<i64: 1, 64>}, {pipeline_mode = #tpu.pipeline_mode<synchronous>, transform_indices = @transform_10, window_bounds = array<i64: 1, 64>}, {pipeline_mode = #tpu.pipeline_mode<synchronous>, transform_indices = @transform_11, window_bounds = array<i64: 256, 1>}, {pipeline_mode = #tpu.pipeline_mode<synchronous>, transform_indices = @transform_12, window_bounds = array<i64: 1, 1>}, {pipeline_mode = #tpu.pipeline_mode<synchronous>, transform_indices = @transform_13, window_bounds = array<i64: 1, 128>}, {}]} {
    %eq3A = arith.constant 0 : i32
    %eq3A_0 = arith.cmpi eq, %arg0, %eq3A : i32
    %convert_element_type3A = arith.extui %eq3A_0 : i1 to i32
    %cond3A = arith.constant 0 : i32
    %cond3A_1 = arith.cmpi ne, %convert_element_type3A, %cond3A : i32
    scf.if %cond3A_1 {
      %get3A_406 = arith.constant 0 : index
      %get3A_407 = arith.constant 0 : index
      %get3A_408 = vector.load %arg1[%get3A_406, %get3A_407] : memref<512x1xf32, #tpu.memory_space<vmem>>, vector<512x1xf32>
      %sign3A = tpu.bitcast %get3A_408 : vector<512x1xf32> -> vector<512x1xi32>
      %sign3A_409 = arith.constant -2147483648 : i32
      %sign3A_410 = vector.broadcast %sign3A_409 : i32 to vector<512x1xi32>
      %sign3A_411 = arith.andi %sign3A, %sign3A_410 : vector<512x1xi32>
      %sign3A_412 = arith.constant 1065353216 : i32
      %sign3A_413 = vector.broadcast %sign3A_412 : i32 to vector<512x1xi32>
      %sign3A_414 = arith.ori %sign3A_413, %sign3A_411 : vector<512x1xi32>
      %sign3A_415 = tpu.bitcast %sign3A_414 : vector<512x1xi32> -> vector<512x1xf32>
      %sign3A_416 = math.absf %get3A_408 : vector<512x1xf32>
      %sign3A_417 = arith.constant 0.000000e+00 : f32
      %sign3A_418 = vector.broadcast %sign3A_417 : f32 to vector<512x1xf32>
      %sign3A_419 = arith.cmpf ogt, %sign3A_416, %sign3A_418 : vector<512x1xf32>
      %sign3A_420 = arith.select %sign3A_419, %sign3A_415, %get3A_408 : vector<512x1xi1>, vector<512x1xf32>
      %abs3A = math.absf %get3A_408 : vector<512x1xf32>
      %add3A_421 = arith.constant 1.000000e-15 : f32
      %add3A_422 = vector.broadcast %add3A_421 : f32 to vector<512x1xf32>
      %add3A_423 = arith.addf %abs3A, %add3A_422 : vector<512x1xf32>
      %log1p3A = math.log1p %add3A_423 : vector<512x1xf32>
      %add3A_424 = arith.constant 1.000000e-15 : f32
      %add3A_425 = vector.broadcast %add3A_424 : f32 to vector<512x1xf32>
      %add3A_426 = arith.addf %abs3A, %add3A_425 : vector<512x1xf32>
      %log3A = math.log %add3A_426 : vector<512x1xf32>
      %mul3A_427 = arith.constant 0.434294492 : f32
      %mul3A_428 = vector.broadcast %mul3A_427 : f32 to vector<512x1xf32>
      %mul3A_429 = arith.mulf %log3A, %mul3A_428 : vector<512x1xf32>
      %floor3A = math.floor %mul3A_429 : vector<512x1xf32>
      %add3A_430 = arith.constant 1.600000e+01 : f32
      %add3A_431 = vector.broadcast %add3A_430 : f32 to vector<512x1xf32>
      %add3A_432 = arith.addf %floor3A, %add3A_431 : vector<512x1xf32>
      %jit3A = arith.constant 0.000000e+00 : f32
      %jit3A_433 = arith.constant 3.100000e+01 : f32
      %max3A = vector.broadcast %jit3A : f32 to vector<512x1xf32>
      %max3A_434 = arith.maximumf %max3A, %add3A_432 : vector<512x1xf32>
      %min3A = vector.broadcast %jit3A_433 : f32 to vector<512x1xf32>
      %min3A_435 = arith.minimumf %min3A, %max3A_434 : vector<512x1xf32>
      %convert_element_type3A_436 = arith.fptosi %min3A_435 : vector<512x1xf32> to vector<512x1xi32>
      %concatenate3A = tpu.concatenate %log1p3A, %sign3A_420, %get3A_408, %floor3A in 1 : vector<512x1xf32>, vector<512x1xf32>, vector<512x1xf32>, vector<512x1xf32> -> vector<512x4xf32>
      %get3A_437 = arith.constant 0 : index
      %get3A_438 = arith.constant 0 : index
      %get3A_439 = vector.load %arg4[%get3A_437, %get3A_438] : memref<64x4xf32, #tpu.memory_space<vmem>>, vector<64x4xf32>
      %transpose3A_440 = tpu.transpose %get3A_439, [1, 0] : vector<64x4xf32> -> vector<4x64xf32>
      %dot_general3A = arith.constant dense<0.000000e+00> : vector<512x64xf32>
      %dot_general3A_441 = tpu.matmul %concatenate3A, %transpose3A_440, %dot_general3A {dimension_numbers = #tpu.dot_dimension_numbers<[1], [0], [0], [1], [0, 0, 1, 1], [], []>, precision = #tpu.contract_precision<fp32>, transpose_lhs_hint = false} : vector<512x4xf32>, vector<4x64xf32>, vector<512x64xf32> -> vector<512x64xf32>
      %get3A_442 = arith.constant 0 : index
      %get3A_443 = arith.constant 0 : index
      %get3A_444 = vector.load %arg5[%get3A_442, %get3A_443] : memref<1x64xf32, #tpu.memory_space<vmem>>, vector<1x64xf32>
      %add3A_445 = vector.broadcast %get3A_444 : vector<1x64xf32> to vector<512x64xf32>
      %add3A_446 = arith.addf %dot_general3A_441, %add3A_445 : vector<512x64xf32>
      %get3A_447 = arith.constant 0 : index
      %get3A_448 = arith.constant 0 : index
      %get3A_449 = vector.load %arg6[%get3A_447, %get3A_448] : memref<1x64xf32, #tpu.memory_space<vmem>>, vector<1x64xf32>
      %get3A_450 = arith.constant 0 : index
      %get3A_451 = arith.constant 0 : index
      %get3A_452 = vector.load %arg7[%get3A_450, %get3A_451] : memref<1x64xf32, #tpu.memory_space<vmem>>, vector<1x64xf32>
      %reduce_sum3A = arith.constant dense<0.000000e+00> : vector<512xf32>
      %reduce_sum3A_453 = vector.multi_reduction <add>, %add3A_446, %reduce_sum3A [1] : vector<512x64xf32> to vector<512xf32>
      %broadcast_in_dim3A_454 = vector.shape_cast %reduce_sum3A_453 : vector<512xf32> to vector<512x1xf32>
      %div3A = arith.constant 6.400000e+01 : f32
      %div3A_455 = vector.broadcast %div3A : f32 to vector<512x1xf32>
      %div3A_456 = arith.divf %broadcast_in_dim3A_454, %div3A_455 : vector<512x1xf32>
      %jit3A_457 = arith.constant 0 : i32
      %reduce_sum3A_458 = arith.constant dense<0.000000e+00> : vector<512xf32>
      %reduce_sum3A_459 = vector.multi_reduction <add>, %add3A_446, %reduce_sum3A_458 [1] : vector<512x64xf32> to vector<512xf32>
      %broadcast_in_dim3A_460 = vector.shape_cast %reduce_sum3A_459 : vector<512xf32> to vector<512x1xf32>
      %div3A_461 = arith.constant 6.400000e+01 : f32
      %div3A_462 = vector.broadcast %div3A_461 : f32 to vector<512x1xf32>
      %div3A_463 = arith.divf %broadcast_in_dim3A_460, %div3A_462 : vector<512x1xf32>
      %sub3A = vector.broadcast %div3A_463 : vector<512x1xf32> to vector<512x64xf32>
      %sub3A_464 = arith.subf %add3A_446, %sub3A : vector<512x64xf32>
      %square3A = arith.mulf %sub3A_464, %sub3A_464 : vector<512x64xf32>
      %convert_element_type3A_465 = arith.sitofp %jit3A_457 : i32 to f32
      %sub3A_466 = arith.constant 6.400000e+01 : f32
      %sub3A_467 = arith.subf %sub3A_466, %convert_element_type3A_465 : f32
      %reduce_sum3A_468 = arith.constant dense<0.000000e+00> : vector<512xf32>
      %reduce_sum3A_469 = vector.multi_reduction <add>, %square3A, %reduce_sum3A_468 [1] : vector<512x64xf32> to vector<512xf32>
      %broadcast_in_dim3A_470 = vector.shape_cast %reduce_sum3A_469 : vector<512xf32> to vector<512x1xf32>
      %div3A_471 = vector.broadcast %sub3A_467 : f32 to vector<512x1xf32>
      %div3A_472 = arith.divf %broadcast_in_dim3A_470, %div3A_471 : vector<512x1xf32>
      %gt3A = arith.constant 0.000000e+00 : f32
      %gt3A_473 = arith.cmpf ogt, %sub3A_467, %gt3A : f32
      %jit3A_474 = arith.constant 0x7FC00000 : f32
      %broadcast_in_dim3A_475 = vector.broadcast %jit3A_474 : f32 to vector<512x1xf32>
      %select_n3A_476 = arith.select %gt3A_473, %div3A_472, %broadcast_in_dim3A_475 : vector<512x1xf32>
      %sub3A_477 = vector.broadcast %div3A_456 : vector<512x1xf32> to vector<512x64xf32>
      %sub3A_478 = arith.subf %add3A_446, %sub3A_477 : vector<512x64xf32>
      %add3A_479 = arith.constant 9.99999974E-6 : f32
      %add3A_480 = vector.broadcast %add3A_479 : f32 to vector<512x1xf32>
      %add3A_481 = arith.addf %select_n3A_476, %add3A_480 : vector<512x1xf32>
      %sqrt3A = math.sqrt %add3A_481 : vector<512x1xf32>
      %div3A_482 = vector.broadcast %sqrt3A : vector<512x1xf32> to vector<512x64xf32>
      %div3A_483 = arith.divf %sub3A_478, %div3A_482 : vector<512x64xf32>
      %mul3A_484 = vector.broadcast %get3A_449 : vector<1x64xf32> to vector<512x64xf32>
      %mul3A_485 = arith.mulf %div3A_483, %mul3A_484 : vector<512x64xf32>
      %add3A_486 = vector.broadcast %get3A_452 : vector<1x64xf32> to vector<512x64xf32>
      %add3A_487 = arith.addf %mul3A_485, %add3A_486 : vector<512x64xf32>
      %mul3A_488 = arith.constant 5.000000e-01 : f32
      %mul3A_489 = vector.broadcast %mul3A_488 : f32 to vector<512x64xf32>
      %mul3A_490 = arith.mulf %mul3A_489, %add3A_487 : vector<512x64xf32>
      %mul3A_491 = arith.constant 0.707106769 : f32
      %mul3A_492 = vector.broadcast %mul3A_491 : f32 to vector<512x64xf32>
      %mul3A_493 = arith.mulf %add3A_487, %mul3A_492 : vector<512x64xf32>
      %erf3A = math.erf %mul3A_493 : vector<512x64xf32>
      %add3A_494 = arith.constant 1.000000e+00 : f32
      %add3A_495 = vector.broadcast %add3A_494 : f32 to vector<512x64xf32>
      %add3A_496 = arith.addf %add3A_495, %erf3A : vector<512x64xf32>
      %mul3A_497 = arith.mulf %mul3A_490, %add3A_496 : vector<512x64xf32>
      %get3A_498 = arith.constant 0 : index
      %get3A_499 = arith.constant 0 : index
      %get3A_500 = vector.load %arg8[%get3A_498, %get3A_499] : memref<64x64xf32, #tpu.memory_space<vmem>>, vector<64x64xf32>
      %transpose3A_501 = tpu.transpose %get3A_500, [1, 0] : vector<64x64xf32> -> vector<64x64xf32>
      %dot_general3A_502 = arith.constant dense<0.000000e+00> : vector<512x64xf32>
      %dot_general3A_503 = tpu.matmul %mul3A_497, %transpose3A_501, %dot_general3A_502 {dimension_numbers = #tpu.dot_dimension_numbers<[1], [0], [0], [1], [0, 0, 1, 1], [], []>, precision = #tpu.contract_precision<fp32>, transpose_lhs_hint = false} : vector<512x64xf32>, vector<64x64xf32>, vector<512x64xf32> -> vector<512x64xf32>
      %get3A_504 = arith.constant 0 : index
      %get3A_505 = arith.constant 0 : index
      %get3A_506 = vector.load %arg9[%get3A_504, %get3A_505] : memref<1x64xf32, #tpu.memory_space<vmem>>, vector<1x64xf32>
      %add3A_507 = vector.broadcast %get3A_506 : vector<1x64xf32> to vector<512x64xf32>
      %add3A_508 = arith.addf %dot_general3A_503, %add3A_507 : vector<512x64xf32>
      %get3A_509 = arith.constant 0 : index
      %get3A_510 = arith.constant 0 : index
      %get3A_511 = vector.load %arg10[%get3A_509, %get3A_510] : memref<1x64xf32, #tpu.memory_space<vmem>>, vector<1x64xf32>
      %get3A_512 = arith.constant 0 : index
      %get3A_513 = arith.constant 0 : index
      %get3A_514 = vector.load %arg11[%get3A_512, %get3A_513] : memref<1x64xf32, #tpu.memory_space<vmem>>, vector<1x64xf32>
      %reduce_sum3A_515 = arith.constant dense<0.000000e+00> : vector<512xf32>
      %reduce_sum3A_516 = vector.multi_reduction <add>, %add3A_508, %reduce_sum3A_515 [1] : vector<512x64xf32> to vector<512xf32>
      %broadcast_in_dim3A_517 = vector.shape_cast %reduce_sum3A_516 : vector<512xf32> to vector<512x1xf32>
      %div3A_518 = arith.constant 6.400000e+01 : f32
      %div3A_519 = vector.broadcast %div3A_518 : f32 to vector<512x1xf32>
      %div3A_520 = arith.divf %broadcast_in_dim3A_517, %div3A_519 : vector<512x1xf32>
      %jit3A_521 = arith.constant 0 : i32
      %reduce_sum3A_522 = arith.constant dense<0.000000e+00> : vector<512xf32>
      %reduce_sum3A_523 = vector.multi_reduction <add>, %add3A_508, %reduce_sum3A_522 [1] : vector<512x64xf32> to vector<512xf32>
      %broadcast_in_dim3A_524 = vector.shape_cast %reduce_sum3A_523 : vector<512xf32> to vector<512x1xf32>
      %div3A_525 = arith.constant 6.400000e+01 : f32
      %div3A_526 = vector.broadcast %div3A_525 : f32 to vector<512x1xf32>
      %div3A_527 = arith.divf %broadcast_in_dim3A_524, %div3A_526 : vector<512x1xf32>
      %sub3A_528 = vector.broadcast %div3A_527 : vector<512x1xf32> to vector<512x64xf32>
      %sub3A_529 = arith.subf %add3A_508, %sub3A_528 : vector<512x64xf32>
      %square3A_530 = arith.mulf %sub3A_529, %sub3A_529 : vector<512x64xf32>
      %convert_element_type3A_531 = arith.sitofp %jit3A_521 : i32 to f32
      %sub3A_532 = arith.constant 6.400000e+01 : f32
      %sub3A_533 = arith.subf %sub3A_532, %convert_element_type3A_531 : f32
      %reduce_sum3A_534 = arith.constant dense<0.000000e+00> : vector<512xf32>
      %reduce_sum3A_535 = vector.multi_reduction <add>, %square3A_530, %reduce_sum3A_534 [1] : vector<512x64xf32> to vector<512xf32>
      %broadcast_in_dim3A_536 = vector.shape_cast %reduce_sum3A_535 : vector<512xf32> to vector<512x1xf32>
      %div3A_537 = vector.broadcast %sub3A_533 : f32 to vector<512x1xf32>
      %div3A_538 = arith.divf %broadcast_in_dim3A_536, %div3A_537 : vector<512x1xf32>
      %gt3A_539 = arith.constant 0.000000e+00 : f32
      %gt3A_540 = arith.cmpf ogt, %sub3A_533, %gt3A_539 : f32
      %jit3A_541 = arith.constant 0x7FC00000 : f32
      %broadcast_in_dim3A_542 = vector.broadcast %jit3A_541 : f32 to vector<512x1xf32>
      %select_n3A_543 = arith.select %gt3A_540, %div3A_538, %broadcast_in_dim3A_542 : vector<512x1xf32>
      %sub3A_544 = vector.broadcast %div3A_520 : vector<512x1xf32> to vector<512x64xf32>
      %sub3A_545 = arith.subf %add3A_508, %sub3A_544 : vector<512x64xf32>
      %add3A_546 = arith.constant 9.99999974E-6 : f32
      %add3A_547 = vector.broadcast %add3A_546 : f32 to vector<512x1xf32>
      %add3A_548 = arith.addf %select_n3A_543, %add3A_547 : vector<512x1xf32>
      %sqrt3A_549 = math.sqrt %add3A_548 : vector<512x1xf32>
      %div3A_550 = vector.broadcast %sqrt3A_549 : vector<512x1xf32> to vector<512x64xf32>
      %div3A_551 = arith.divf %sub3A_545, %div3A_550 : vector<512x64xf32>
      %mul3A_552 = vector.broadcast %get3A_511 : vector<1x64xf32> to vector<512x64xf32>
      %mul3A_553 = arith.mulf %div3A_551, %mul3A_552 : vector<512x64xf32>
      %add3A_554 = vector.broadcast %get3A_514 : vector<1x64xf32> to vector<512x64xf32>
      %add3A_555 = arith.addf %mul3A_553, %add3A_554 : vector<512x64xf32>
      %mul3A_556 = arith.constant 5.000000e-01 : f32
      %mul3A_557 = vector.broadcast %mul3A_556 : f32 to vector<512x64xf32>
      %mul3A_558 = arith.mulf %mul3A_557, %add3A_555 : vector<512x64xf32>
      %mul3A_559 = arith.constant 0.707106769 : f32
      %mul3A_560 = vector.broadcast %mul3A_559 : f32 to vector<512x64xf32>
      %mul3A_561 = arith.mulf %add3A_555, %mul3A_560 : vector<512x64xf32>
      %erf3A_562 = math.erf %mul3A_561 : vector<512x64xf32>
      %add3A_563 = arith.constant 1.000000e+00 : f32
      %add3A_564 = vector.broadcast %add3A_563 : f32 to vector<512x64xf32>
      %add3A_565 = arith.addf %add3A_564, %erf3A_562 : vector<512x64xf32>
      %mul3A_566 = arith.mulf %mul3A_558, %add3A_565 : vector<512x64xf32>
      %get3A_567 = arith.constant 0 : index
      %get3A_568 = arith.constant 0 : index
      %get3A_569 = vector.load %arg14[%get3A_567, %get3A_568] : memref<1x128xf32, #tpu.memory_space<vmem>>, vector<1x128xf32>
      %lt3A_570 = vector.broadcast %get3A_569 : vector<1x128xf32> to vector<512x128xf32>
      %lt3A_571 = vector.broadcast %log1p3A : vector<512x1xf32> to vector<512x128xf32>
      %lt3A_572 = arith.cmpf olt, %lt3A_570, %lt3A_571 : vector<512x128xf32>
      %convert_element_type3A_573 = arith.extui %lt3A_572 : vector<512x128xi1> to vector<512x128xi32>
      %reduce_sum3A_574 = arith.constant dense<0> : vector<512xi32>
      %reduce_sum3A_575 = vector.multi_reduction <add>, %convert_element_type3A_573, %reduce_sum3A_574 [1] : vector<512x128xi32> to vector<512xi32>
      %broadcast_in_dim3A_576 = vector.shape_cast %reduce_sum3A_575 : vector<512xi32> to vector<512x1xi32>
      %add3A_577 = arith.constant 1 : i32
      %add3A_578 = vector.broadcast %add3A_577 : i32 to vector<512x1xi32>
      %add3A_579 = arith.addi %add3A_578, %broadcast_in_dim3A_576 : vector<512x1xi32>
      %iota3A_580 = tpu.iota {dimensions = array<i32: 1>} : vector<512x256xi32>
      %eq3A_581 = vector.broadcast %add3A_579 : vector<512x1xi32> to vector<512x256xi32>
      %eq3A_582 = arith.cmpi eq, %eq3A_581, %iota3A_580 : vector<512x256xi32>
      %convert_element_type3A_583 = arith.extui %eq3A_582 : vector<512x256xi1> to vector<512x256xi32>
      %convert_element_type3A_584 = arith.sitofp %convert_element_type3A_583 : vector<512x256xi32> to vector<512x256xf32>
      %get3A_585 = arith.constant 0 : index
      %get3A_586 = arith.constant 0 : index
      %get3A_587 = vector.load %arg2[%get3A_585, %get3A_586] : memref<256x64xf32, #tpu.memory_space<vmem>>, vector<256x64xf32>
      %dot_general3A_588 = arith.constant dense<0.000000e+00> : vector<512x64xf32>
      %dot_general3A_589 = tpu.matmul %convert_element_type3A_584, %get3A_587, %dot_general3A_588 {dimension_numbers = #tpu.dot_dimension_numbers<[1], [0], [0], [1], [0, 0, 1, 1], [], []>, precision = #tpu.contract_precision<fp32>, transpose_lhs_hint = false} : vector<512x256xf32>, vector<256x64xf32>, vector<512x64xf32> -> vector<512x64xf32>
      %get3A_590 = arith.constant 0 : index
      %get3A_591 = arith.constant 0 : index
      %get3A_592 = vector.load %arg12[%get3A_590, %get3A_591] : memref<256x1xf32, #tpu.memory_space<vmem>>, vector<256x1xf32>
      %dot_general3A_593 = arith.constant dense<0.000000e+00> : vector<512x1xf32>
      %dot_general3A_594 = tpu.matmul %convert_element_type3A_584, %get3A_592, %dot_general3A_593 {dimension_numbers = #tpu.dot_dimension_numbers<[1], [0], [0], [1], [0, 0, 1, 1], [], []>, precision = #tpu.contract_precision<fp32>, transpose_lhs_hint = false} : vector<512x256xf32>, vector<256x1xf32>, vector<512x1xf32> -> vector<512x1xf32>
      %iota3A_595 = tpu.iota {dimensions = array<i32: 1>} : vector<512x32xi32>
      %eq3A_596 = vector.broadcast %convert_element_type3A_436 : vector<512x1xi32> to vector<512x32xi32>
      %eq3A_597 = arith.cmpi eq, %eq3A_596, %iota3A_595 : vector<512x32xi32>
      %convert_element_type3A_598 = arith.extui %eq3A_597 : vector<512x32xi1> to vector<512x32xi32>
      %convert_element_type3A_599 = arith.sitofp %convert_element_type3A_598 : vector<512x32xi32> to vector<512x32xf32>
      %get3A_600 = arith.constant 0 : index
      %get3A_601 = arith.constant 0 : index
      %get3A_602 = vector.load %arg3[%get3A_600, %get3A_601] : memref<32x64xf32, #tpu.memory_space<vmem>>, vector<32x64xf32>
      %dot_general3A_603 = arith.constant dense<0.000000e+00> : vector<512x64xf32>
      %dot_general3A_604 = tpu.matmul %convert_element_type3A_599, %get3A_602, %dot_general3A_603 {dimension_numbers = #tpu.dot_dimension_numbers<[1], [0], [0], [1], [0, 0, 1, 1], [], []>, precision = #tpu.contract_precision<fp32>, transpose_lhs_hint = false} : vector<512x32xf32>, vector<32x64xf32>, vector<512x64xf32> -> vector<512x64xf32>
      %get3A_605 = arith.constant 0 : index
      %get3A_606 = arith.constant 0 : index
      %get3A_607 = vector.load %arg13[%get3A_605, %get3A_606] : memref<1x1xf32, #tpu.memory_space<vmem>>, vector<1x1xf32>
      %div3A_608 = vector.broadcast %get3A_607 : vector<1x1xf32> to vector<512x1xf32>
      %div3A_609 = arith.divf %dot_general3A_594, %div3A_608 : vector<512x1xf32>
      %custom_jvp_call3A = arith.constant 0.000000e+00 : f32
      %max3A_610 = vector.broadcast %custom_jvp_call3A : f32 to vector<512x1xf32>
      %max3A_611 = arith.maximumf %div3A_609, %max3A_610 : vector<512x1xf32>
      %sub3A_612 = vector.broadcast %custom_jvp_call3A : f32 to vector<512x1xf32>
      %sub3A_613 = arith.subf %div3A_609, %sub3A_612 : vector<512x1xf32>
      %ne3A = arith.cmpf one, %sub3A_613, %sub3A_613 : vector<512x1xf32>
      %add3A_614 = vector.broadcast %custom_jvp_call3A : f32 to vector<512x1xf32>
      %add3A_615 = arith.addf %div3A_609, %add3A_614 : vector<512x1xf32>
      %abs3A_616 = math.absf %sub3A_613 : vector<512x1xf32>
      %neg3A = arith.constant 0.000000e+00 : f32
      %neg3A_617 = vector.broadcast %neg3A : f32 to vector<512x1xf32>
      %neg3A_618 = arith.subf %neg3A_617, %abs3A_616 : vector<512x1xf32>
      %exp3A = math.exp %neg3A_618 : vector<512x1xf32>
      %log1p3A_619 = math.log1p %exp3A : vector<512x1xf32>
      %add3A_620 = arith.addf %max3A_611, %log1p3A_619 : vector<512x1xf32>
      %select_n3A_621 = arith.select %ne3A, %add3A_615, %add3A_620 : vector<512x1xi1>, vector<512x1xf32>
      %add3A_622 = arith.addf %dot_general3A_589, %mul3A_566 : vector<512x64xf32>
      %iota3A_623 = tpu.iota {dimensions = array<i32: 0>} : vector<256x512xi32>
      %iota3A_624 = tpu.iota {dimensions = array<i32: 1>} : vector<256x512xi32>
      %mul3A_625 = arith.constant 2 : i32
      %mul3A_626 = vector.broadcast %mul3A_625 : i32 to vector<256x512xi32>
      %mul3A_627 = arith.muli %mul3A_626, %iota3A_623 : vector<256x512xi32>
      %eq3A_628 = arith.cmpi eq, %iota3A_624, %mul3A_627 : vector<256x512xi32>
      %convert_element_type3A_629 = arith.extui %eq3A_628 : vector<256x512xi1> to vector<256x512xi32>
      %convert_element_type3A_630 = arith.sitofp %convert_element_type3A_629 : vector<256x512xi32> to vector<256x512xf32>
      %mul3A_631 = arith.constant 2 : i32
      %mul3A_632 = vector.broadcast %mul3A_631 : i32 to vector<256x512xi32>
      %mul3A_633 = arith.muli %mul3A_632, %iota3A_623 : vector<256x512xi32>
      %add3A_634 = arith.constant 1 : i32
      %add3A_635 = vector.broadcast %add3A_634 : i32 to vector<256x512xi32>
      %add3A_636 = arith.addi %mul3A_633, %add3A_635 : vector<256x512xi32>
      %eq3A_637 = arith.cmpi eq, %iota3A_624, %add3A_636 : vector<256x512xi32>
      %convert_element_type3A_638 = arith.extui %eq3A_637 : vector<256x512xi1> to vector<256x512xi32>
      %convert_element_type3A_639 = arith.sitofp %convert_element_type3A_638 : vector<256x512xi32> to vector<256x512xf32>
      %dot_general3A_640 = arith.constant dense<0.000000e+00> : vector<256x64xf32>
      %dot_general3A_641 = tpu.matmul %convert_element_type3A_630, %add3A_622, %dot_general3A_640 {dimension_numbers = #tpu.dot_dimension_numbers<[1], [0], [0], [1], [0, 0, 1, 1], [], []>, precision = #tpu.contract_precision<fp32>, transpose_lhs_hint = false} : vector<256x512xf32>, vector<512x64xf32>, vector<256x64xf32> -> vector<256x64xf32>
      %dot_general3A_642 = arith.constant dense<0.000000e+00> : vector<256x64xf32>
      %dot_general3A_643 = tpu.matmul %convert_element_type3A_639, %add3A_622, %dot_general3A_642 {dimension_numbers = #tpu.dot_dimension_numbers<[1], [0], [0], [1], [0, 0, 1, 1], [], []>, precision = #tpu.contract_precision<fp32>, transpose_lhs_hint = false} : vector<256x512xf32>, vector<512x64xf32>, vector<256x64xf32> -> vector<256x64xf32>
      %concatenate3A_644 = tpu.concatenate %dot_general3A_641, %dot_general3A_643 in 1 : vector<256x64xf32>, vector<256x64xf32> -> vector<256x128xf32>
      %swap3A_645 = arith.constant 0 : index
      %swap3A_646 = arith.constant 0 : index
      %swap3A_647 = vector.load %arg16[%swap3A_645, %swap3A_646] : memref<256x128xf32, #tpu.memory_space<vmem>>, vector<256x128xf32>
      tpu.vector_store %arg16[%swap3A_645, %swap3A_646], %concatenate3A_644 {strides = array<i32>} : memref<256x128xf32, #tpu.memory_space<vmem>>, vector<256x128xf32>,
      %concatenate3A_648 = tpu.concatenate %dot_general3A_604, %dot_general3A_604 in 1 : vector<512x64xf32>, vector<512x64xf32> -> vector<512x128xf32>
      %swap3A_649 = arith.constant 0 : index
      %swap3A_650 = arith.constant 0 : index
      %swap3A_651 = vector.load %arg17[%swap3A_649, %swap3A_650] : memref<512x128xf32, #tpu.memory_space<vmem>>, vector<512x128xf32>
      tpu.vector_store %arg17[%swap3A_649, %swap3A_650], %concatenate3A_648 {strides = array<i32>} : memref<512x128xf32, #tpu.memory_space<vmem>>, vector<512x128xf32>,
      %mul3A_652 = arith.mulf %add3A_622, %add3A_622 : vector<512x64xf32>
      %reduce_sum3A_653 = arith.constant dense<0.000000e+00> : vector<512xf32>
      %reduce_sum3A_654 = vector.multi_reduction <add>, %mul3A_652, %reduce_sum3A_653 [1] : vector<512x64xf32> to vector<512xf32>
      %broadcast_in_dim3A_655 = vector.shape_cast %reduce_sum3A_654 : vector<512xf32> to vector<512x1xf32>
      %mul3A_656 = arith.mulf %dot_general3A_604, %dot_general3A_604 : vector<512x64xf32>
      %reduce_sum3A_657 = arith.constant dense<0.000000e+00> : vector<512xf32>
      %reduce_sum3A_658 = vector.multi_reduction <add>, %mul3A_656, %reduce_sum3A_657 [1] : vector<512x64xf32> to vector<512xf32>
      %broadcast_in_dim3A_659 = vector.shape_cast %reduce_sum3A_658 : vector<512xf32> to vector<512x1xf32>
      %transpose3A_660 = tpu.transpose %broadcast_in_dim3A_659, [1, 0] : vector<512x1xf32> -> vector<1x512xf32>
      %dot_general3A_661 = arith.constant dense<0.000000e+00> : vector<256x1xf32>
      %dot_general3A_662 = tpu.matmul %convert_element_type3A_630, %broadcast_in_dim3A_655, %dot_general3A_661 {dimension_numbers = #tpu.dot_dimension_numbers<[1], [0], [0], [1], [0, 0, 1, 1], [], []>, precision = #tpu.contract_precision<fp32>, transpose_lhs_hint = false} : vector<256x512xf32>, vector<512x1xf32>, vector<256x1xf32> -> vector<256x1xf32>
      %dot_general3A_663 = arith.constant dense<0.000000e+00> : vector<256x1xf32>
      %dot_general3A_664 = tpu.matmul %convert_element_type3A_639, %broadcast_in_dim3A_655, %dot_general3A_663 {dimension_numbers = #tpu.dot_dimension_numbers<[1], [0], [0], [1], [0, 0, 1, 1], [], []>, precision = #tpu.contract_precision<fp32>, transpose_lhs_hint = false} : vector<256x512xf32>, vector<512x1xf32>, vector<256x1xf32> -> vector<256x1xf32>
      %dot_general3A_665 = arith.constant dense<0.000000e+00> : vector<256x1xf32>
      %dot_general3A_666 = tpu.matmul %convert_element_type3A_630, %select_n3A_621, %dot_general3A_665 {dimension_numbers = #tpu.dot_dimension_numbers<[1], [0], [0], [1], [0, 0, 1, 1], [], []>, precision = #tpu.contract_precision<fp32>, transpose_lhs_hint = false} : vector<256x512xf32>, vector<512x1xf32>, vector<256x1xf32> -> vector<256x1xf32>
      %dot_general3A_667 = arith.constant dense<0.000000e+00> : vector<256x1xf32>
      %dot_general3A_668 = tpu.matmul %convert_element_type3A_639, %select_n3A_621, %dot_general3A_667 {dimension_numbers = #tpu.dot_dimension_numbers<[1], [0], [0], [1], [0, 0, 1, 1], [], []>, precision = #tpu.contract_precision<fp32>, transpose_lhs_hint = false} : vector<256x512xf32>, vector<512x1xf32>, vector<256x1xf32> -> vector<256x1xf32>
      %dot_general3A_669 = arith.constant dense<0.000000e+00> : vector<256x512xf32>
      %dot_general3A_670 = tpu.matmul %dot_general3A_641, %dot_general3A_604, %dot_general3A_669 {dimension_numbers = #tpu.dot_dimension_numbers<[1], [1], [0], [0], [0, 0, 1, 0], [], []>, precision = #tpu.contract_precision<fp32>, transpose_lhs_hint = false} : vector<256x64xf32>, vector<512x64xf32>, vector<256x512xf32> -> vector<256x512xf32>
      %dot_general3A_671 = arith.constant dense<0.000000e+00> : vector<256x512xf32>
      %dot_general3A_672 = tpu.matmul %dot_general3A_643, %dot_general3A_604, %dot_general3A_671 {dimension_numbers = #tpu.dot_dimension_numbers<[1], [1], [0], [0], [0, 0, 1, 0], [], []>, precision = #tpu.contract_precision<fp32>, transpose_lhs_hint = false} : vector<256x64xf32>, vector<512x64xf32>, vector<256x512xf32> -> vector<256x512xf32>
      %mul3A_673 = arith.constant 2.000000e+00 : f32
      %mul3A_674 = vector.broadcast %mul3A_673 : f32 to vector<256x512xf32>
      %mul3A_675 = arith.mulf %mul3A_674, %dot_general3A_670 : vector<256x512xf32>
      %add3A_676 = vector.broadcast %dot_general3A_662 : vector<256x1xf32> to vector<256x512xf32>
      %add3A_677 = arith.addf %add3A_676, %mul3A_675 : vector<256x512xf32>
      %add3A_678 = vector.broadcast %transpose3A_660 : vector<1x512xf32> to vector<256x512xf32>
      %add3A_679 = arith.addf %add3A_677, %add3A_678 : vector<256x512xf32>
      %max3A_680 = arith.constant 0.000000e+00 : f32
      %max3A_681 = vector.broadcast %max3A_680 : f32 to vector<256x512xf32>
      %max3A_682 = arith.maximumf %add3A_679, %max3A_681 : vector<256x512xf32>
      %sqrt3A_683 = math.sqrt %max3A_682 : vector<256x512xf32>
      %mul3A_684 = arith.constant 2.000000e+00 : f32
      %mul3A_685 = vector.broadcast %mul3A_684 : f32 to vector<256x512xf32>
      %mul3A_686 = arith.mulf %mul3A_685, %dot_general3A_672 : vector<256x512xf32>
      %add3A_687 = vector.broadcast %dot_general3A_664 : vector<256x1xf32> to vector<256x512xf32>
      %add3A_688 = arith.addf %add3A_687, %mul3A_686 : vector<256x512xf32>
      %add3A_689 = vector.broadcast %transpose3A_660 : vector<1x512xf32> to vector<256x512xf32>
      %add3A_690 = arith.addf %add3A_688, %add3A_689 : vector<256x512xf32>
      %max3A_691 = arith.constant 0.000000e+00 : f32
      %max3A_692 = vector.broadcast %max3A_691 : f32 to vector<256x512xf32>
      %max3A_693 = arith.maximumf %add3A_690, %max3A_692 : vector<256x512xf32>
      %sqrt3A_694 = math.sqrt %max3A_693 : vector<256x512xf32>
      %mul3A_695 = vector.broadcast %dot_general3A_666 : vector<256x1xf32> to vector<256x512xf32>
      %mul3A_696 = arith.mulf %mul3A_695, %sqrt3A_683 : vector<256x512xf32>
      %max3A_697 = arith.constant 9.99999996E-13 : f32
      %max3A_698 = vector.broadcast %max3A_697 : f32 to vector<256x512xf32>
      %max3A_699 = arith.maximumf %mul3A_696, %max3A_698 : vector<256x512xf32>
      %div3A_700 = vector.broadcast %dot_general3A_666 : vector<256x1xf32> to vector<256x512xf32>
      %div3A_701 = arith.divf %div3A_700, %max3A_699 : vector<256x512xf32>
      %transpose3A_702 = tpu.transpose %div3A_701, [1, 0] : vector<256x512xf32> -> vector<512x256xf32>
      %swap3A_703 = arith.constant 0 : index
      %swap3A_704 = arith.constant 0 : index
      %swap3A_705 = vector.load %arg18[%swap3A_703, %swap3A_704] : memref<512x256xf32, #tpu.memory_space<vmem>>, vector<512x256xf32>
      tpu.vector_store %arg18[%swap3A_703, %swap3A_704], %transpose3A_702 {strides = array<i32>} : memref<512x256xf32, #tpu.memory_space<vmem>>, vector<512x256xf32>,
      %mul3A_706 = vector.broadcast %dot_general3A_668 : vector<256x1xf32> to vector<256x512xf32>
      %mul3A_707 = arith.mulf %mul3A_706, %sqrt3A_694 : vector<256x512xf32>
      %max3A_708 = arith.constant 9.99999996E-13 : f32
      %max3A_709 = vector.broadcast %max3A_708 : f32 to vector<256x512xf32>
      %max3A_710 = arith.maximumf %mul3A_707, %max3A_709 : vector<256x512xf32>
      %div3A_711 = vector.broadcast %dot_general3A_668 : vector<256x1xf32> to vector<256x512xf32>
      %div3A_712 = arith.divf %div3A_711, %max3A_710 : vector<256x512xf32>
      %transpose3A_713 = tpu.transpose %div3A_712, [1, 0] : vector<256x512xf32> -> vector<512x256xf32>
      %swap3A_714 = arith.constant 0 : index
      %swap3A_715 = arith.constant 0 : index
      %swap3A_716 = vector.load %arg19[%swap3A_714, %swap3A_715] : memref<512x256xf32, #tpu.memory_space<vmem>>, vector<512x256xf32>
      tpu.vector_store %arg19[%swap3A_714, %swap3A_715], %transpose3A_713 {strides = array<i32>} : memref<512x256xf32, #tpu.memory_space<vmem>>, vector<512x256xf32>,
    } else {
    }
    %rem3A = arith.constant 8 : i32
    %rem3A_2 = arith.remsi %arg0, %rem3A : i32
    %ge3A = arith.constant 8 : i32
    %ge3A_3 = arith.cmpi sge, %arg0, %ge3A : i32
    %convert_element_type3A_4 = arith.extui %ge3A_3 : i1 to i32
    %cond3A_5 = arith.constant 0 : i32
    %cond3A_6 = arith.cmpi ne, %convert_element_type3A_4, %cond3A_5 : i32
    scf.if %cond3A_6 {
      %sub3A = arith.constant 8 : i32
      %sub3A_406 = arith.subi %arg0, %sub3A : i32
      %mul3A_407 = arith.constant 524288 : i32
      %mul3A_408 = arith.muli %sub3A_406, %mul3A_407 : i32
      %dma_wait3A = tpu.memref_slice %arg21[%rem3A_2] : memref<8x!tpu.dma_semaphore, #tpu.memory_space<semaphore_mem>> -> memref<1x!tpu.dma_semaphore, #tpu.memory_space<semaphore_mem>>
      %dma_wait3A_409 = tpu.memref_squeeze %dma_wait3A : memref<1x!tpu.dma_semaphore, #tpu.memory_space<semaphore_mem>> -> memref<!tpu.dma_semaphore, #tpu.memory_space<semaphore_mem>>
      %dma_wait3A_410 = tpu.memref_slice %arg15[%mul3A_408] : memref<16777216xf32, #tpu.memory_space<any>> -> memref<524288xf32, #tpu.memory_space<any>>
      %dma_wait3A_411 = arith.constant 0 : i32
      %dma_wait3A_412 = tpu.memref_slice %arg20[%rem3A_2, %dma_wait3A_411] : memref<8x524288xf32, #tpu.memory_space<vmem>> -> memref<1x524288xf32, #tpu.memory_space<vmem>>
      %dma_wait3A_413 = tpu.memref_squeeze %dma_wait3A_412 : memref<1x524288xf32, #tpu.memory_space<vmem>> -> memref<524288xf32, #tpu.memory_space<vmem>>
      tpu.wait_dma2 semaphore(%dma_wait3A_409 : memref<!tpu.dma_semaphore, #tpu.memory_space<semaphore_mem>>) src(%dma_wait3A_413 : memref<524288xf32, #tpu.memory_space<vmem>>) dst(%dma_wait3A_410 : memref<524288xf32, #tpu.memory_space<any>>)
    } else {
    }
    %mul3A = arith.constant 16 : i32
    %mul3A_7 = arith.muli %arg0, %mul3A : i32
    %iota3A = tpu.iota {dimensions = array<i32: 1>} : vector<256x128xi32>
    %get3A = arith.constant 0 : index
    %get3A_8 = arith.constant 0 : index
    %get3A_9 = vector.load %arg16[%get3A, %get3A_8] : memref<256x128xf32, #tpu.memory_space<vmem>>, vector<256x128xf32>
    %get3A_10 = arith.index_cast %mul3A_7 : i32 to index
    %get3A_11 = arith.constant 0 : index
    %get3A_12 = vector.load %arg18[%get3A_10, %get3A_11] : memref<512x256xf32, #tpu.memory_space<vmem>>, vector<16x256xf32>
    %transpose3A = tpu.transpose %get3A_12, [1, 0] : vector<16x256xf32> -> vector<256x16xf32>
    %get3A_13 = arith.index_cast %mul3A_7 : i32 to index
    %get3A_14 = arith.constant 0 : index
    %get3A_15 = vector.load %arg19[%get3A_13, %get3A_14] : memref<512x256xf32, #tpu.memory_space<vmem>>, vector<16x256xf32>
    %transpose3A_16 = tpu.transpose %get3A_15, [1, 0] : vector<16x256xf32> -> vector<256x16xf32>
    %lt3A = arith.constant 64 : i32
    %lt3A_17 = vector.broadcast %lt3A : i32 to vector<256x128xi32>
    %lt3A_18 = arith.cmpi slt, %iota3A, %lt3A_17 : vector<256x128xi32>
    %slice3A = vector.extract_strided_slice %transpose3A {offsets = [0, 0], sizes = [256, 1], strides = [1, 1]} : vector<256x16xf32> to vector<256x1xf32>
    %slice3A_19 = vector.extract_strided_slice %transpose3A_16 {offsets = [0, 0], sizes = [256, 1], strides = [1, 1]} : vector<256x16xf32> to vector<256x1xf32>
    %broadcast_in_dim3A = vector.shape_cast %slice3A : vector<256x1xf32> to vector<256x1xf32>
    %broadcast_in_dim3A_20 = vector.broadcast %broadcast_in_dim3A : vector<256x1xf32> to vector<256x128xf32>
    %broadcast_in_dim3A_21 = vector.shape_cast %slice3A_19 : vector<256x1xf32> to vector<256x1xf32>
    %broadcast_in_dim3A_22 = vector.broadcast %broadcast_in_dim3A_21 : vector<256x1xf32> to vector<256x128xf32>
    %select_n3A = arith.select %lt3A_18, %broadcast_in_dim3A_20, %broadcast_in_dim3A_22 : vector<256x128xi1>, vector<256x128xf32>
    %add3A = arith.constant 0 : i32
    %add3A_23 = arith.addi %mul3A_7, %add3A : i32
    %get3A_24 = arith.index_cast %add3A_23 : i32 to index
    %get3A_25 = arith.constant 0 : index
    %get3A_26 = vector.load %arg17[%get3A_24, %get3A_25] : memref<512x128xf32, #tpu.memory_space<vmem>>, vector<1x128xf32>
    %add3A_27 = vector.broadcast %get3A_26 : vector<1x128xf32> to vector<256x128xf32>
    %add3A_28 = arith.addf %get3A_9, %add3A_27 : vector<256x128xf32>
    %mul3A_29 = arith.mulf %add3A_28, %select_n3A : vector<256x128xf32>
    %reshape3A = vector.shape_cast %mul3A_29 : vector<256x128xf32> to vector<32768xf32>
    %swap3A = arith.index_cast %rem3A_2 : i32 to index
    %swap3A_30 = arith.constant 0 : index
    %swap3A_31 = vector.load %arg20[%swap3A, %swap3A_30] : memref<8x524288xf32, #tpu.memory_space<vmem>>, vector<1x32768xf32>
    %swap3A_32 = vector.shape_cast %swap3A_31 : vector<1x32768xf32> to vector<32768xf32>
    %swap3A_33 = vector.shape_cast %reshape3A : vector<32768xf32> to vector<1x32768xf32>
    tpu.vector_store %arg20[%swap3A, %swap3A_30], %swap3A_33 {strides = array<i32>} : memref<8x524288xf32, #tpu.memory_space<vmem>>, vector<1x32768xf32>,
    %lt3A_34 = arith.constant 64 : i32
    %lt3A_35 = vector.broadcast %lt3A_34 : i32 to vector<256x128xi32>
    %lt3A_36 = arith.cmpi slt, %iota3A, %lt3A_35 : vector<256x128xi32>
    %slice3A_37 = vector.extract_strided_slice %transpose3A {offsets = [0, 1], sizes = [256, 1], strides = [1, 1]} : vector<256x16xf32> to vector<256x1xf32>
    %slice3A_38 = vector.extract_strided_slice %transpose3A_16 {offsets = [0, 1], sizes = [256, 1], strides = [1, 1]} : vector<256x16xf32> to vector<256x1xf32>
    %broadcast_in_dim3A_39 = vector.shape_cast %slice3A_37 : vector<256x1xf32> to vector<256x1xf32>
    %broadcast_in_dim3A_40 = vector.broadcast %broadcast_in_dim3A_39 : vector<256x1xf32> to vector<256x128xf32>
    %broadcast_in_dim3A_41 = vector.shape_cast %slice3A_38 : vector<256x1xf32> to vector<256x1xf32>
    %broadcast_in_dim3A_42 = vector.broadcast %broadcast_in_dim3A_41 : vector<256x1xf32> to vector<256x128xf32>
    %select_n3A_43 = arith.select %lt3A_36, %broadcast_in_dim3A_40, %broadcast_in_dim3A_42 : vector<256x128xi1>, vector<256x128xf32>
    %add3A_44 = arith.constant 1 : i32
    %add3A_45 = arith.addi %mul3A_7, %add3A_44 : i32
    %get3A_46 = arith.index_cast %add3A_45 : i32 to index
    %get3A_47 = arith.constant 0 : index
    %get3A_48 = vector.load %arg17[%get3A_46, %get3A_47] : memref<512x128xf32, #tpu.memory_space<vmem>>, vector<1x128xf32>
    %add3A_49 = vector.broadcast %get3A_48 : vector<1x128xf32> to vector<256x128xf32>
    %add3A_50 = arith.addf %get3A_9, %add3A_49 : vector<256x128xf32>
    %mul3A_51 = arith.mulf %add3A_50, %select_n3A_43 : vector<256x128xf32>
    %reshape3A_52 = vector.shape_cast %mul3A_51 : vector<256x128xf32> to vector<32768xf32>
    %swap3A_53 = arith.index_cast %rem3A_2 : i32 to index
    %swap3A_54 = arith.constant 32768 : index
    %swap3A_55 = vector.load %arg20[%swap3A_53, %swap3A_54] : memref<8x524288xf32, #tpu.memory_space<vmem>>, vector<1x32768xf32>
    %swap3A_56 = vector.shape_cast %swap3A_55 : vector<1x32768xf32> to vector<32768xf32>
    %swap3A_57 = vector.shape_cast %reshape3A_52 : vector<32768xf32> to vector<1x32768xf32>
    tpu.vector_store %arg20[%swap3A_53, %swap3A_54], %swap3A_57 {strides = array<i32>} : memref<8x524288xf32, #tpu.memory_space<vmem>>, vector<1x32768xf32>,
    %lt3A_58 = arith.constant 64 : i32
    %lt3A_59 = vector.broadcast %lt3A_58 : i32 to vector<256x128xi32>
    %lt3A_60 = arith.cmpi slt, %iota3A, %lt3A_59 : vector<256x128xi32>
    %slice3A_61 = vector.extract_strided_slice %transpose3A {offsets = [0, 2], sizes = [256, 1], strides = [1, 1]} : vector<256x16xf32> to vector<256x1xf32>
    %slice3A_62 = vector.extract_strided_slice %transpose3A_16 {offsets = [0, 2], sizes = [256, 1], strides = [1, 1]} : vector<256x16xf32> to vector<256x1xf32>
    %broadcast_in_dim3A_63 = vector.shape_cast %slice3A_61 : vector<256x1xf32> to vector<256x1xf32>
    %broadcast_in_dim3A_64 = vector.broadcast %broadcast_in_dim3A_63 : vector<256x1xf32> to vector<256x128xf32>
    %broadcast_in_dim3A_65 = vector.shape_cast %slice3A_62 : vector<256x1xf32> to vector<256x1xf32>
    %broadcast_in_dim3A_66 = vector.broadcast %broadcast_in_dim3A_65 : vector<256x1xf32> to vector<256x128xf32>
    %select_n3A_67 = arith.select %lt3A_60, %broadcast_in_dim3A_64, %broadcast_in_dim3A_66 : vector<256x128xi1>, vector<256x128xf32>
    %add3A_68 = arith.constant 2 : i32
    %add3A_69 = arith.addi %mul3A_7, %add3A_68 : i32
    %get3A_70 = arith.index_cast %add3A_69 : i32 to index
    %get3A_71 = arith.constant 0 : index
    %get3A_72 = vector.load %arg17[%get3A_70, %get3A_71] : memref<512x128xf32, #tpu.memory_space<vmem>>, vector<1x128xf32>
    %add3A_73 = vector.broadcast %get3A_72 : vector<1x128xf32> to vector<256x128xf32>
    %add3A_74 = arith.addf %get3A_9, %add3A_73 : vector<256x128xf32>
    %mul3A_75 = arith.mulf %add3A_74, %select_n3A_67 : vector<256x128xf32>
    %reshape3A_76 = vector.shape_cast %mul3A_75 : vector<256x128xf32> to vector<32768xf32>
    %swap3A_77 = arith.index_cast %rem3A_2 : i32 to index
    %swap3A_78 = arith.constant 65536 : index
    %swap3A_79 = vector.load %arg20[%swap3A_77, %swap3A_78] : memref<8x524288xf32, #tpu.memory_space<vmem>>, vector<1x32768xf32>
    %swap3A_80 = vector.shape_cast %swap3A_79 : vector<1x32768xf32> to vector<32768xf32>
    %swap3A_81 = vector.shape_cast %reshape3A_76 : vector<32768xf32> to vector<1x32768xf32>
    tpu.vector_store %arg20[%swap3A_77, %swap3A_78], %swap3A_81 {strides = array<i32>} : memref<8x524288xf32, #tpu.memory_space<vmem>>, vector<1x32768xf32>,
    %lt3A_82 = arith.constant 64 : i32
    %lt3A_83 = vector.broadcast %lt3A_82 : i32 to vector<256x128xi32>
    %lt3A_84 = arith.cmpi slt, %iota3A, %lt3A_83 : vector<256x128xi32>
    %slice3A_85 = vector.extract_strided_slice %transpose3A {offsets = [0, 3], sizes = [256, 1], strides = [1, 1]} : vector<256x16xf32> to vector<256x1xf32>
    %slice3A_86 = vector.extract_strided_slice %transpose3A_16 {offsets = [0, 3], sizes = [256, 1], strides = [1, 1]} : vector<256x16xf32> to vector<256x1xf32>
    %broadcast_in_dim3A_87 = vector.shape_cast %slice3A_85 : vector<256x1xf32> to vector<256x1xf32>
    %broadcast_in_dim3A_88 = vector.broadcast %broadcast_in_dim3A_87 : vector<256x1xf32> to vector<256x128xf32>
    %broadcast_in_dim3A_89 = vector.shape_cast %slice3A_86 : vector<256x1xf32> to vector<256x1xf32>
    %broadcast_in_dim3A_90 = vector.broadcast %broadcast_in_dim3A_89 : vector<256x1xf32> to vector<256x128xf32>
    %select_n3A_91 = arith.select %lt3A_84, %broadcast_in_dim3A_88, %broadcast_in_dim3A_90 : vector<256x128xi1>, vector<256x128xf32>
    %add3A_92 = arith.constant 3 : i32
    %add3A_93 = arith.addi %mul3A_7, %add3A_92 : i32
    %get3A_94 = arith.index_cast %add3A_93 : i32 to index
    %get3A_95 = arith.constant 0 : index
    %get3A_96 = vector.load %arg17[%get3A_94, %get3A_95] : memref<512x128xf32, #tpu.memory_space<vmem>>, vector<1x128xf32>
    %add3A_97 = vector.broadcast %get3A_96 : vector<1x128xf32> to vector<256x128xf32>
    %add3A_98 = arith.addf %get3A_9, %add3A_97 : vector<256x128xf32>
    %mul3A_99 = arith.mulf %add3A_98, %select_n3A_91 : vector<256x128xf32>
    %reshape3A_100 = vector.shape_cast %mul3A_99 : vector<256x128xf32> to vector<32768xf32>
    %swap3A_101 = arith.index_cast %rem3A_2 : i32 to index
    %swap3A_102 = arith.constant 98304 : index
    %swap3A_103 = vector.load %arg20[%swap3A_101, %swap3A_102] : memref<8x524288xf32, #tpu.memory_space<vmem>>, vector<1x32768xf32>
    %swap3A_104 = vector.shape_cast %swap3A_103 : vector<1x32768xf32> to vector<32768xf32>
    %swap3A_105 = vector.shape_cast %reshape3A_100 : vector<32768xf32> to vector<1x32768xf32>
    tpu.vector_store %arg20[%swap3A_101, %swap3A_102], %swap3A_105 {strides = array<i32>} : memref<8x524288xf32, #tpu.memory_space<vmem>>, vector<1x32768xf32>,
    %lt3A_106 = arith.constant 64 : i32
    %lt3A_107 = vector.broadcast %lt3A_106 : i32 to vector<256x128xi32>
    %lt3A_108 = arith.cmpi slt, %iota3A, %lt3A_107 : vector<256x128xi32>
    %slice3A_109 = vector.extract_strided_slice %transpose3A {offsets = [0, 4], sizes = [256, 1], strides = [1, 1]} : vector<256x16xf32> to vector<256x1xf32>
    %slice3A_110 = vector.extract_strided_slice %transpose3A_16 {offsets = [0, 4], sizes = [256, 1], strides = [1, 1]} : vector<256x16xf32> to vector<256x1xf32>
    %broadcast_in_dim3A_111 = vector.shape_cast %slice3A_109 : vector<256x1xf32> to vector<256x1xf32>
    %broadcast_in_dim3A_112 = vector.broadcast %broadcast_in_dim3A_111 : vector<256x1xf32> to vector<256x128xf32>
    %broadcast_in_dim3A_113 = vector.shape_cast %slice3A_110 : vector<256x1xf32> to vector<256x1xf32>
    %broadcast_in_dim3A_114 = vector.broadcast %broadcast_in_dim3A_113 : vector<256x1xf32> to vector<256x128xf32>
    %select_n3A_115 = arith.select %lt3A_108, %broadcast_in_dim3A_112, %broadcast_in_dim3A_114 : vector<256x128xi1>, vector<256x128xf32>
    %add3A_116 = arith.constant 4 : i32
    %add3A_117 = arith.addi %mul3A_7, %add3A_116 : i32
    %get3A_118 = arith.index_cast %add3A_117 : i32 to index
    %get3A_119 = arith.constant 0 : index
    %get3A_120 = vector.load %arg17[%get3A_118, %get3A_119] : memref<512x128xf32, #tpu.memory_space<vmem>>, vector<1x128xf32>
    %add3A_121 = vector.broadcast %get3A_120 : vector<1x128xf32> to vector<256x128xf32>
    %add3A_122 = arith.addf %get3A_9, %add3A_121 : vector<256x128xf32>
    %mul3A_123 = arith.mulf %add3A_122, %select_n3A_115 : vector<256x128xf32>
    %reshape3A_124 = vector.shape_cast %mul3A_123 : vector<256x128xf32> to vector<32768xf32>
    %swap3A_125 = arith.index_cast %rem3A_2 : i32 to index
    %swap3A_126 = arith.constant 131072 : index
    %swap3A_127 = vector.load %arg20[%swap3A_125, %swap3A_126] : memref<8x524288xf32, #tpu.memory_space<vmem>>, vector<1x32768xf32>
    %swap3A_128 = vector.shape_cast %swap3A_127 : vector<1x32768xf32> to vector<32768xf32>
    %swap3A_129 = vector.shape_cast %reshape3A_124 : vector<32768xf32> to vector<1x32768xf32>
    tpu.vector_store %arg20[%swap3A_125, %swap3A_126], %swap3A_129 {strides = array<i32>} : memref<8x524288xf32, #tpu.memory_space<vmem>>, vector<1x32768xf32>,
    %lt3A_130 = arith.constant 64 : i32
    %lt3A_131 = vector.broadcast %lt3A_130 : i32 to vector<256x128xi32>
    %lt3A_132 = arith.cmpi slt, %iota3A, %lt3A_131 : vector<256x128xi32>
    %slice3A_133 = vector.extract_strided_slice %transpose3A {offsets = [0, 5], sizes = [256, 1], strides = [1, 1]} : vector<256x16xf32> to vector<256x1xf32>
    %slice3A_134 = vector.extract_strided_slice %transpose3A_16 {offsets = [0, 5], sizes = [256, 1], strides = [1, 1]} : vector<256x16xf32> to vector<256x1xf32>
    %broadcast_in_dim3A_135 = vector.shape_cast %slice3A_133 : vector<256x1xf32> to vector<256x1xf32>
    %broadcast_in_dim3A_136 = vector.broadcast %broadcast_in_dim3A_135 : vector<256x1xf32> to vector<256x128xf32>
    %broadcast_in_dim3A_137 = vector.shape_cast %slice3A_134 : vector<256x1xf32> to vector<256x1xf32>
    %broadcast_in_dim3A_138 = vector.broadcast %broadcast_in_dim3A_137 : vector<256x1xf32> to vector<256x128xf32>
    %select_n3A_139 = arith.select %lt3A_132, %broadcast_in_dim3A_136, %broadcast_in_dim3A_138 : vector<256x128xi1>, vector<256x128xf32>
    %add3A_140 = arith.constant 5 : i32
    %add3A_141 = arith.addi %mul3A_7, %add3A_140 : i32
    %get3A_142 = arith.index_cast %add3A_141 : i32 to index
    %get3A_143 = arith.constant 0 : index
    %get3A_144 = vector.load %arg17[%get3A_142, %get3A_143] : memref<512x128xf32, #tpu.memory_space<vmem>>, vector<1x128xf32>
    %add3A_145 = vector.broadcast %get3A_144 : vector<1x128xf32> to vector<256x128xf32>
    %add3A_146 = arith.addf %get3A_9, %add3A_145 : vector<256x128xf32>
    %mul3A_147 = arith.mulf %add3A_146, %select_n3A_139 : vector<256x128xf32>
    %reshape3A_148 = vector.shape_cast %mul3A_147 : vector<256x128xf32> to vector<32768xf32>
    %swap3A_149 = arith.index_cast %rem3A_2 : i32 to index
    %swap3A_150 = arith.constant 163840 : index
    %swap3A_151 = vector.load %arg20[%swap3A_149, %swap3A_150] : memref<8x524288xf32, #tpu.memory_space<vmem>>, vector<1x32768xf32>
    %swap3A_152 = vector.shape_cast %swap3A_151 : vector<1x32768xf32> to vector<32768xf32>
    %swap3A_153 = vector.shape_cast %reshape3A_148 : vector<32768xf32> to vector<1x32768xf32>
    tpu.vector_store %arg20[%swap3A_149, %swap3A_150], %swap3A_153 {strides = array<i32>} : memref<8x524288xf32, #tpu.memory_space<vmem>>, vector<1x32768xf32>,
    %lt3A_154 = arith.constant 64 : i32
    %lt3A_155 = vector.broadcast %lt3A_154 : i32 to vector<256x128xi32>
    %lt3A_156 = arith.cmpi slt, %iota3A, %lt3A_155 : vector<256x128xi32>
    %slice3A_157 = vector.extract_strided_slice %transpose3A {offsets = [0, 6], sizes = [256, 1], strides = [1, 1]} : vector<256x16xf32> to vector<256x1xf32>
    %slice3A_158 = vector.extract_strided_slice %transpose3A_16 {offsets = [0, 6], sizes = [256, 1], strides = [1, 1]} : vector<256x16xf32> to vector<256x1xf32>
    %broadcast_in_dim3A_159 = vector.shape_cast %slice3A_157 : vector<256x1xf32> to vector<256x1xf32>
    %broadcast_in_dim3A_160 = vector.broadcast %broadcast_in_dim3A_159 : vector<256x1xf32> to vector<256x128xf32>
    %broadcast_in_dim3A_161 = vector.shape_cast %slice3A_158 : vector<256x1xf32> to vector<256x1xf32>
    %broadcast_in_dim3A_162 = vector.broadcast %broadcast_in_dim3A_161 : vector<256x1xf32> to vector<256x128xf32>
    %select_n3A_163 = arith.select %lt3A_156, %broadcast_in_dim3A_160, %broadcast_in_dim3A_162 : vector<256x128xi1>, vector<256x128xf32>
    %add3A_164 = arith.constant 6 : i32
    %add3A_165 = arith.addi %mul3A_7, %add3A_164 : i32
    %get3A_166 = arith.index_cast %add3A_165 : i32 to index
    %get3A_167 = arith.constant 0 : index
    %get3A_168 = vector.load %arg17[%get3A_166, %get3A_167] : memref<512x128xf32, #tpu.memory_space<vmem>>, vector<1x128xf32>
    %add3A_169 = vector.broadcast %get3A_168 : vector<1x128xf32> to vector<256x128xf32>
    %add3A_170 = arith.addf %get3A_9, %add3A_169 : vector<256x128xf32>
    %mul3A_171 = arith.mulf %add3A_170, %select_n3A_163 : vector<256x128xf32>
    %reshape3A_172 = vector.shape_cast %mul3A_171 : vector<256x128xf32> to vector<32768xf32>
    %swap3A_173 = arith.index_cast %rem3A_2 : i32 to index
    %swap3A_174 = arith.constant 196608 : index
    %swap3A_175 = vector.load %arg20[%swap3A_173, %swap3A_174] : memref<8x524288xf32, #tpu.memory_space<vmem>>, vector<1x32768xf32>
    %swap3A_176 = vector.shape_cast %swap3A_175 : vector<1x32768xf32> to vector<32768xf32>
    %swap3A_177 = vector.shape_cast %reshape3A_172 : vector<32768xf32> to vector<1x32768xf32>
    tpu.vector_store %arg20[%swap3A_173, %swap3A_174], %swap3A_177 {strides = array<i32>} : memref<8x524288xf32, #tpu.memory_space<vmem>>, vector<1x32768xf32>,
    %lt3A_178 = arith.constant 64 : i32
    %lt3A_179 = vector.broadcast %lt3A_178 : i32 to vector<256x128xi32>
    %lt3A_180 = arith.cmpi slt, %iota3A, %lt3A_179 : vector<256x128xi32>
    %slice3A_181 = vector.extract_strided_slice %transpose3A {offsets = [0, 7], sizes = [256, 1], strides = [1, 1]} : vector<256x16xf32> to vector<256x1xf32>
    %slice3A_182 = vector.extract_strided_slice %transpose3A_16 {offsets = [0, 7], sizes = [256, 1], strides = [1, 1]} : vector<256x16xf32> to vector<256x1xf32>
    %broadcast_in_dim3A_183 = vector.shape_cast %slice3A_181 : vector<256x1xf32> to vector<256x1xf32>
    %broadcast_in_dim3A_184 = vector.broadcast %broadcast_in_dim3A_183 : vector<256x1xf32> to vector<256x128xf32>
    %broadcast_in_dim3A_185 = vector.shape_cast %slice3A_182 : vector<256x1xf32> to vector<256x1xf32>
    %broadcast_in_dim3A_186 = vector.broadcast %broadcast_in_dim3A_185 : vector<256x1xf32> to vector<256x128xf32>
    %select_n3A_187 = arith.select %lt3A_180, %broadcast_in_dim3A_184, %broadcast_in_dim3A_186 : vector<256x128xi1>, vector<256x128xf32>
    %add3A_188 = arith.constant 7 : i32
    %add3A_189 = arith.addi %mul3A_7, %add3A_188 : i32
    %get3A_190 = arith.index_cast %add3A_189 : i32 to index
    %get3A_191 = arith.constant 0 : index
    %get3A_192 = vector.load %arg17[%get3A_190, %get3A_191] : memref<512x128xf32, #tpu.memory_space<vmem>>, vector<1x128xf32>
    %add3A_193 = vector.broadcast %get3A_192 : vector<1x128xf32> to vector<256x128xf32>
    %add3A_194 = arith.addf %get3A_9, %add3A_193 : vector<256x128xf32>
    %mul3A_195 = arith.mulf %add3A_194, %select_n3A_187 : vector<256x128xf32>
    %reshape3A_196 = vector.shape_cast %mul3A_195 : vector<256x128xf32> to vector<32768xf32>
    %swap3A_197 = arith.index_cast %rem3A_2 : i32 to index
    %swap3A_198 = arith.constant 229376 : index
    %swap3A_199 = vector.load %arg20[%swap3A_197, %swap3A_198] : memref<8x524288xf32, #tpu.memory_space<vmem>>, vector<1x32768xf32>
    %swap3A_200 = vector.shape_cast %swap3A_199 : vector<1x32768xf32> to vector<32768xf32>
    %swap3A_201 = vector.shape_cast %reshape3A_196 : vector<32768xf32> to vector<1x32768xf32>
    tpu.vector_store %arg20[%swap3A_197, %swap3A_198], %swap3A_201 {strides = array<i32>} : memref<8x524288xf32, #tpu.memory_space<vmem>>, vector<1x32768xf32>,
    %lt3A_202 = arith.constant 64 : i32
    %lt3A_203 = vector.broadcast %lt3A_202 : i32 to vector<256x128xi32>
    %lt3A_204 = arith.cmpi slt, %iota3A, %lt3A_203 : vector<256x128xi32>
    %slice3A_205 = vector.extract_strided_slice %transpose3A {offsets = [0, 8], sizes = [256, 1], strides = [1, 1]} : vector<256x16xf32> to vector<256x1xf32>
    %slice3A_206 = vector.extract_strided_slice %transpose3A_16 {offsets = [0, 8], sizes = [256, 1], strides = [1, 1]} : vector<256x16xf32> to vector<256x1xf32>
    %broadcast_in_dim3A_207 = vector.shape_cast %slice3A_205 : vector<256x1xf32> to vector<256x1xf32>
    %broadcast_in_dim3A_208 = vector.broadcast %broadcast_in_dim3A_207 : vector<256x1xf32> to vector<256x128xf32>
    %broadcast_in_dim3A_209 = vector.shape_cast %slice3A_206 : vector<256x1xf32> to vector<256x1xf32>
    %broadcast_in_dim3A_210 = vector.broadcast %broadcast_in_dim3A_209 : vector<256x1xf32> to vector<256x128xf32>
    %select_n3A_211 = arith.select %lt3A_204, %broadcast_in_dim3A_208, %broadcast_in_dim3A_210 : vector<256x128xi1>, vector<256x128xf32>
    %add3A_212 = arith.constant 8 : i32
    %add3A_213 = arith.addi %mul3A_7, %add3A_212 : i32
    %get3A_214 = arith.index_cast %add3A_213 : i32 to index
    %get3A_215 = arith.constant 0 : index
    %get3A_216 = vector.load %arg17[%get3A_214, %get3A_215] : memref<512x128xf32, #tpu.memory_space<vmem>>, vector<1x128xf32>
    %add3A_217 = vector.broadcast %get3A_216 : vector<1x128xf32> to vector<256x128xf32>
    %add3A_218 = arith.addf %get3A_9, %add3A_217 : vector<256x128xf32>
    %mul3A_219 = arith.mulf %add3A_218, %select_n3A_211 : vector<256x128xf32>
    %reshape3A_220 = vector.shape_cast %mul3A_219 : vector<256x128xf32> to vector<32768xf32>
    %swap3A_221 = arith.index_cast %rem3A_2 : i32 to index
    %swap3A_222 = arith.constant 262144 : index
    %swap3A_223 = vector.load %arg20[%swap3A_221, %swap3A_222] : memref<8x524288xf32, #tpu.memory_space<vmem>>, vector<1x32768xf32>
    %swap3A_224 = vector.shape_cast %swap3A_223 : vector<1x32768xf32> to vector<32768xf32>
    %swap3A_225 = vector.shape_cast %reshape3A_220 : vector<32768xf32> to vector<1x32768xf32>
    tpu.vector_store %arg20[%swap3A_221, %swap3A_222], %swap3A_225 {strides = array<i32>} : memref<8x524288xf32, #tpu.memory_space<vmem>>, vector<1x32768xf32>,
    %lt3A_226 = arith.constant 64 : i32
    %lt3A_227 = vector.broadcast %lt3A_226 : i32 to vector<256x128xi32>
    %lt3A_228 = arith.cmpi slt, %iota3A, %lt3A_227 : vector<256x128xi32>
    %slice3A_229 = vector.extract_strided_slice %transpose3A {offsets = [0, 9], sizes = [256, 1], strides = [1, 1]} : vector<256x16xf32> to vector<256x1xf32>
    %slice3A_230 = vector.extract_strided_slice %transpose3A_16 {offsets = [0, 9], sizes = [256, 1], strides = [1, 1]} : vector<256x16xf32> to vector<256x1xf32>
    %broadcast_in_dim3A_231 = vector.shape_cast %slice3A_229 : vector<256x1xf32> to vector<256x1xf32>
    %broadcast_in_dim3A_232 = vector.broadcast %broadcast_in_dim3A_231 : vector<256x1xf32> to vector<256x128xf32>
    %broadcast_in_dim3A_233 = vector.shape_cast %slice3A_230 : vector<256x1xf32> to vector<256x1xf32>
    %broadcast_in_dim3A_234 = vector.broadcast %broadcast_in_dim3A_233 : vector<256x1xf32> to vector<256x128xf32>
    %select_n3A_235 = arith.select %lt3A_228, %broadcast_in_dim3A_232, %broadcast_in_dim3A_234 : vector<256x128xi1>, vector<256x128xf32>
    %add3A_236 = arith.constant 9 : i32
    %add3A_237 = arith.addi %mul3A_7, %add3A_236 : i32
    %get3A_238 = arith.index_cast %add3A_237 : i32 to index
    %get3A_239 = arith.constant 0 : index
    %get3A_240 = vector.load %arg17[%get3A_238, %get3A_239] : memref<512x128xf32, #tpu.memory_space<vmem>>, vector<1x128xf32>
    %add3A_241 = vector.broadcast %get3A_240 : vector<1x128xf32> to vector<256x128xf32>
    %add3A_242 = arith.addf %get3A_9, %add3A_241 : vector<256x128xf32>
    %mul3A_243 = arith.mulf %add3A_242, %select_n3A_235 : vector<256x128xf32>
    %reshape3A_244 = vector.shape_cast %mul3A_243 : vector<256x128xf32> to vector<32768xf32>
    %swap3A_245 = arith.index_cast %rem3A_2 : i32 to index
    %swap3A_246 = arith.constant 294912 : index
    %swap3A_247 = vector.load %arg20[%swap3A_245, %swap3A_246] : memref<8x524288xf32, #tpu.memory_space<vmem>>, vector<1x32768xf32>
    %swap3A_248 = vector.shape_cast %swap3A_247 : vector<1x32768xf32> to vector<32768xf32>
    %swap3A_249 = vector.shape_cast %reshape3A_244 : vector<32768xf32> to vector<1x32768xf32>
    tpu.vector_store %arg20[%swap3A_245, %swap3A_246], %swap3A_249 {strides = array<i32>} : memref<8x524288xf32, #tpu.memory_space<vmem>>, vector<1x32768xf32>,
    %lt3A_250 = arith.constant 64 : i32
    %lt3A_251 = vector.broadcast %lt3A_250 : i32 to vector<256x128xi32>
    %lt3A_252 = arith.cmpi slt, %iota3A, %lt3A_251 : vector<256x128xi32>
    %slice3A_253 = vector.extract_strided_slice %transpose3A {offsets = [0, 10], sizes = [256, 1], strides = [1, 1]} : vector<256x16xf32> to vector<256x1xf32>
    %slice3A_254 = vector.extract_strided_slice %transpose3A_16 {offsets = [0, 10], sizes = [256, 1], strides = [1, 1]} : vector<256x16xf32> to vector<256x1xf32>
    %broadcast_in_dim3A_255 = vector.shape_cast %slice3A_253 : vector<256x1xf32> to vector<256x1xf32>
    %broadcast_in_dim3A_256 = vector.broadcast %broadcast_in_dim3A_255 : vector<256x1xf32> to vector<256x128xf32>
    %broadcast_in_dim3A_257 = vector.shape_cast %slice3A_254 : vector<256x1xf32> to vector<256x1xf32>
    %broadcast_in_dim3A_258 = vector.broadcast %broadcast_in_dim3A_257 : vector<256x1xf32> to vector<256x128xf32>
    %select_n3A_259 = arith.select %lt3A_252, %broadcast_in_dim3A_256, %broadcast_in_dim3A_258 : vector<256x128xi1>, vector<256x128xf32>
    %add3A_260 = arith.constant 10 : i32
    %add3A_261 = arith.addi %mul3A_7, %add3A_260 : i32
    %get3A_262 = arith.index_cast %add3A_261 : i32 to index
    %get3A_263 = arith.constant 0 : index
    %get3A_264 = vector.load %arg17[%get3A_262, %get3A_263] : memref<512x128xf32, #tpu.memory_space<vmem>>, vector<1x128xf32>
    %add3A_265 = vector.broadcast %get3A_264 : vector<1x128xf32> to vector<256x128xf32>
    %add3A_266 = arith.addf %get3A_9, %add3A_265 : vector<256x128xf32>
    %mul3A_267 = arith.mulf %add3A_266, %select_n3A_259 : vector<256x128xf32>
    %reshape3A_268 = vector.shape_cast %mul3A_267 : vector<256x128xf32> to vector<32768xf32>
    %swap3A_269 = arith.index_cast %rem3A_2 : i32 to index
    %swap3A_270 = arith.constant 327680 : index
    %swap3A_271 = vector.load %arg20[%swap3A_269, %swap3A_270] : memref<8x524288xf32, #tpu.memory_space<vmem>>, vector<1x32768xf32>
    %swap3A_272 = vector.shape_cast %swap3A_271 : vector<1x32768xf32> to vector<32768xf32>
    %swap3A_273 = vector.shape_cast %reshape3A_268 : vector<32768xf32> to vector<1x32768xf32>
    tpu.vector_store %arg20[%swap3A_269, %swap3A_270], %swap3A_273 {strides = array<i32>} : memref<8x524288xf32, #tpu.memory_space<vmem>>, vector<1x32768xf32>,
    %lt3A_274 = arith.constant 64 : i32
    %lt3A_275 = vector.broadcast %lt3A_274 : i32 to vector<256x128xi32>
    %lt3A_276 = arith.cmpi slt, %iota3A, %lt3A_275 : vector<256x128xi32>
    %slice3A_277 = vector.extract_strided_slice %transpose3A {offsets = [0, 11], sizes = [256, 1], strides = [1, 1]} : vector<256x16xf32> to vector<256x1xf32>
    %slice3A_278 = vector.extract_strided_slice %transpose3A_16 {offsets = [0, 11], sizes = [256, 1], strides = [1, 1]} : vector<256x16xf32> to vector<256x1xf32>
    %broadcast_in_dim3A_279 = vector.shape_cast %slice3A_277 : vector<256x1xf32> to vector<256x1xf32>
    %broadcast_in_dim3A_280 = vector.broadcast %broadcast_in_dim3A_279 : vector<256x1xf32> to vector<256x128xf32>
    %broadcast_in_dim3A_281 = vector.shape_cast %slice3A_278 : vector<256x1xf32> to vector<256x1xf32>
    %broadcast_in_dim3A_282 = vector.broadcast %broadcast_in_dim3A_281 : vector<256x1xf32> to vector<256x128xf32>
    %select_n3A_283 = arith.select %lt3A_276, %broadcast_in_dim3A_280, %broadcast_in_dim3A_282 : vector<256x128xi1>, vector<256x128xf32>
    %add3A_284 = arith.constant 11 : i32
    %add3A_285 = arith.addi %mul3A_7, %add3A_284 : i32
    %get3A_286 = arith.index_cast %add3A_285 : i32 to index
    %get3A_287 = arith.constant 0 : index
    %get3A_288 = vector.load %arg17[%get3A_286, %get3A_287] : memref<512x128xf32, #tpu.memory_space<vmem>>, vector<1x128xf32>
    %add3A_289 = vector.broadcast %get3A_288 : vector<1x128xf32> to vector<256x128xf32>
    %add3A_290 = arith.addf %get3A_9, %add3A_289 : vector<256x128xf32>
    %mul3A_291 = arith.mulf %add3A_290, %select_n3A_283 : vector<256x128xf32>
    %reshape3A_292 = vector.shape_cast %mul3A_291 : vector<256x128xf32> to vector<32768xf32>
    %swap3A_293 = arith.index_cast %rem3A_2 : i32 to index
    %swap3A_294 = arith.constant 360448 : index
    %swap3A_295 = vector.load %arg20[%swap3A_293, %swap3A_294] : memref<8x524288xf32, #tpu.memory_space<vmem>>, vector<1x32768xf32>
    %swap3A_296 = vector.shape_cast %swap3A_295 : vector<1x32768xf32> to vector<32768xf32>
    %swap3A_297 = vector.shape_cast %reshape3A_292 : vector<32768xf32> to vector<1x32768xf32>
    tpu.vector_store %arg20[%swap3A_293, %swap3A_294], %swap3A_297 {strides = array<i32>} : memref<8x524288xf32, #tpu.memory_space<vmem>>, vector<1x32768xf32>,
    %lt3A_298 = arith.constant 64 : i32
    %lt3A_299 = vector.broadcast %lt3A_298 : i32 to vector<256x128xi32>
    %lt3A_300 = arith.cmpi slt, %iota3A, %lt3A_299 : vector<256x128xi32>
    %slice3A_301 = vector.extract_strided_slice %transpose3A {offsets = [0, 12], sizes = [256, 1], strides = [1, 1]} : vector<256x16xf32> to vector<256x1xf32>
    %slice3A_302 = vector.extract_strided_slice %transpose3A_16 {offsets = [0, 12], sizes = [256, 1], strides = [1, 1]} : vector<256x16xf32> to vector<256x1xf32>
    %broadcast_in_dim3A_303 = vector.shape_cast %slice3A_301 : vector<256x1xf32> to vector<256x1xf32>
    %broadcast_in_dim3A_304 = vector.broadcast %broadcast_in_dim3A_303 : vector<256x1xf32> to vector<256x128xf32>
    %broadcast_in_dim3A_305 = vector.shape_cast %slice3A_302 : vector<256x1xf32> to vector<256x1xf32>
    %broadcast_in_dim3A_306 = vector.broadcast %broadcast_in_dim3A_305 : vector<256x1xf32> to vector<256x128xf32>
    %select_n3A_307 = arith.select %lt3A_300, %broadcast_in_dim3A_304, %broadcast_in_dim3A_306 : vector<256x128xi1>, vector<256x128xf32>
    %add3A_308 = arith.constant 12 : i32
    %add3A_309 = arith.addi %mul3A_7, %add3A_308 : i32
    %get3A_310 = arith.index_cast %add3A_309 : i32 to index
    %get3A_311 = arith.constant 0 : index
    %get3A_312 = vector.load %arg17[%get3A_310, %get3A_311] : memref<512x128xf32, #tpu.memory_space<vmem>>, vector<1x128xf32>
    %add3A_313 = vector.broadcast %get3A_312 : vector<1x128xf32> to vector<256x128xf32>
    %add3A_314 = arith.addf %get3A_9, %add3A_313 : vector<256x128xf32>
    %mul3A_315 = arith.mulf %add3A_314, %select_n3A_307 : vector<256x128xf32>
    %reshape3A_316 = vector.shape_cast %mul3A_315 : vector<256x128xf32> to vector<32768xf32>
    %swap3A_317 = arith.index_cast %rem3A_2 : i32 to index
    %swap3A_318 = arith.constant 393216 : index
    %swap3A_319 = vector.load %arg20[%swap3A_317, %swap3A_318] : memref<8x524288xf32, #tpu.memory_space<vmem>>, vector<1x32768xf32>
    %swap3A_320 = vector.shape_cast %swap3A_319 : vector<1x32768xf32> to vector<32768xf32>
    %swap3A_321 = vector.shape_cast %reshape3A_316 : vector<32768xf32> to vector<1x32768xf32>
    tpu.vector_store %arg20[%swap3A_317, %swap3A_318], %swap3A_321 {strides = array<i32>} : memref<8x524288xf32, #tpu.memory_space<vmem>>, vector<1x32768xf32>,
    %lt3A_322 = arith.constant 64 : i32
    %lt3A_323 = vector.broadcast %lt3A_322 : i32 to vector<256x128xi32>
    %lt3A_324 = arith.cmpi slt, %iota3A, %lt3A_323 : vector<256x128xi32>
    %slice3A_325 = vector.extract_strided_slice %transpose3A {offsets = [0, 13], sizes = [256, 1], strides = [1, 1]} : vector<256x16xf32> to vector<256x1xf32>
    %slice3A_326 = vector.extract_strided_slice %transpose3A_16 {offsets = [0, 13], sizes = [256, 1], strides = [1, 1]} : vector<256x16xf32> to vector<256x1xf32>
    %broadcast_in_dim3A_327 = vector.shape_cast %slice3A_325 : vector<256x1xf32> to vector<256x1xf32>
    %broadcast_in_dim3A_328 = vector.broadcast %broadcast_in_dim3A_327 : vector<256x1xf32> to vector<256x128xf32>
    %broadcast_in_dim3A_329 = vector.shape_cast %slice3A_326 : vector<256x1xf32> to vector<256x1xf32>
    %broadcast_in_dim3A_330 = vector.broadcast %broadcast_in_dim3A_329 : vector<256x1xf32> to vector<256x128xf32>
    %select_n3A_331 = arith.select %lt3A_324, %broadcast_in_dim3A_328, %broadcast_in_dim3A_330 : vector<256x128xi1>, vector<256x128xf32>
    %add3A_332 = arith.constant 13 : i32
    %add3A_333 = arith.addi %mul3A_7, %add3A_332 : i32
    %get3A_334 = arith.index_cast %add3A_333 : i32 to index
    %get3A_335 = arith.constant 0 : index
    %get3A_336 = vector.load %arg17[%get3A_334, %get3A_335] : memref<512x128xf32, #tpu.memory_space<vmem>>, vector<1x128xf32>
    %add3A_337 = vector.broadcast %get3A_336 : vector<1x128xf32> to vector<256x128xf32>
    %add3A_338 = arith.addf %get3A_9, %add3A_337 : vector<256x128xf32>
    %mul3A_339 = arith.mulf %add3A_338, %select_n3A_331 : vector<256x128xf32>
    %reshape3A_340 = vector.shape_cast %mul3A_339 : vector<256x128xf32> to vector<32768xf32>
    %swap3A_341 = arith.index_cast %rem3A_2 : i32 to index
    %swap3A_342 = arith.constant 425984 : index
    %swap3A_343 = vector.load %arg20[%swap3A_341, %swap3A_342] : memref<8x524288xf32, #tpu.memory_space<vmem>>, vector<1x32768xf32>
    %swap3A_344 = vector.shape_cast %swap3A_343 : vector<1x32768xf32> to vector<32768xf32>
    %swap3A_345 = vector.shape_cast %reshape3A_340 : vector<32768xf32> to vector<1x32768xf32>
    tpu.vector_store %arg20[%swap3A_341, %swap3A_342], %swap3A_345 {strides = array<i32>} : memref<8x524288xf32, #tpu.memory_space<vmem>>, vector<1x32768xf32>,
    %lt3A_346 = arith.constant 64 : i32
    %lt3A_347 = vector.broadcast %lt3A_346 : i32 to vector<256x128xi32>
    %lt3A_348 = arith.cmpi slt, %iota3A, %lt3A_347 : vector<256x128xi32>
    %slice3A_349 = vector.extract_strided_slice %transpose3A {offsets = [0, 14], sizes = [256, 1], strides = [1, 1]} : vector<256x16xf32> to vector<256x1xf32>
    %slice3A_350 = vector.extract_strided_slice %transpose3A_16 {offsets = [0, 14], sizes = [256, 1], strides = [1, 1]} : vector<256x16xf32> to vector<256x1xf32>
    %broadcast_in_dim3A_351 = vector.shape_cast %slice3A_349 : vector<256x1xf32> to vector<256x1xf32>
    %broadcast_in_dim3A_352 = vector.broadcast %broadcast_in_dim3A_351 : vector<256x1xf32> to vector<256x128xf32>
    %broadcast_in_dim3A_353 = vector.shape_cast %slice3A_350 : vector<256x1xf32> to vector<256x1xf32>
    %broadcast_in_dim3A_354 = vector.broadcast %broadcast_in_dim3A_353 : vector<256x1xf32> to vector<256x128xf32>
    %select_n3A_355 = arith.select %lt3A_348, %broadcast_in_dim3A_352, %broadcast_in_dim3A_354 : vector<256x128xi1>, vector<256x128xf32>
    %add3A_356 = arith.constant 14 : i32
    %add3A_357 = arith.addi %mul3A_7, %add3A_356 : i32
    %get3A_358 = arith.index_cast %add3A_357 : i32 to index
    %get3A_359 = arith.constant 0 : index
    %get3A_360 = vector.load %arg17[%get3A_358, %get3A_359] : memref<512x128xf32, #tpu.memory_space<vmem>>, vector<1x128xf32>
    %add3A_361 = vector.broadcast %get3A_360 : vector<1x128xf32> to vector<256x128xf32>
    %add3A_362 = arith.addf %get3A_9, %add3A_361 : vector<256x128xf32>
    %mul3A_363 = arith.mulf %add3A_362, %select_n3A_355 : vector<256x128xf32>
    %reshape3A_364 = vector.shape_cast %mul3A_363 : vector<256x128xf32> to vector<32768xf32>
    %swap3A_365 = arith.index_cast %rem3A_2 : i32 to index
    %swap3A_366 = arith.constant 458752 : index
    %swap3A_367 = vector.load %arg20[%swap3A_365, %swap3A_366] : memref<8x524288xf32, #tpu.memory_space<vmem>>, vector<1x32768xf32>
    %swap3A_368 = vector.shape_cast %swap3A_367 : vector<1x32768xf32> to vector<32768xf32>
    %swap3A_369 = vector.shape_cast %reshape3A_364 : vector<32768xf32> to vector<1x32768xf32>
    tpu.vector_store %arg20[%swap3A_365, %swap3A_366], %swap3A_369 {strides = array<i32>} : memref<8x524288xf32, #tpu.memory_space<vmem>>, vector<1x32768xf32>,
    %lt3A_370 = arith.constant 64 : i32
    %lt3A_371 = vector.broadcast %lt3A_370 : i32 to vector<256x128xi32>
    %lt3A_372 = arith.cmpi slt, %iota3A, %lt3A_371 : vector<256x128xi32>
    %slice3A_373 = vector.extract_strided_slice %transpose3A {offsets = [0, 15], sizes = [256, 1], strides = [1, 1]} : vector<256x16xf32> to vector<256x1xf32>
    %slice3A_374 = vector.extract_strided_slice %transpose3A_16 {offsets = [0, 15], sizes = [256, 1], strides = [1, 1]} : vector<256x16xf32> to vector<256x1xf32>
    %broadcast_in_dim3A_375 = vector.shape_cast %slice3A_373 : vector<256x1xf32> to vector<256x1xf32>
    %broadcast_in_dim3A_376 = vector.broadcast %broadcast_in_dim3A_375 : vector<256x1xf32> to vector<256x128xf32>
    %broadcast_in_dim3A_377 = vector.shape_cast %slice3A_374 : vector<256x1xf32> to vector<256x1xf32>
    %broadcast_in_dim3A_378 = vector.broadcast %broadcast_in_dim3A_377 : vector<256x1xf32> to vector<256x128xf32>
    %select_n3A_379 = arith.select %lt3A_372, %broadcast_in_dim3A_376, %broadcast_in_dim3A_378 : vector<256x128xi1>, vector<256x128xf32>
    %add3A_380 = arith.constant 15 : i32
    %add3A_381 = arith.addi %mul3A_7, %add3A_380 : i32
    %get3A_382 = arith.index_cast %add3A_381 : i32 to index
    %get3A_383 = arith.constant 0 : index
    %get3A_384 = vector.load %arg17[%get3A_382, %get3A_383] : memref<512x128xf32, #tpu.memory_space<vmem>>, vector<1x128xf32>
    %add3A_385 = vector.broadcast %get3A_384 : vector<1x128xf32> to vector<256x128xf32>
    %add3A_386 = arith.addf %get3A_9, %add3A_385 : vector<256x128xf32>
    %mul3A_387 = arith.mulf %add3A_386, %select_n3A_379 : vector<256x128xf32>
    %reshape3A_388 = vector.shape_cast %mul3A_387 : vector<256x128xf32> to vector<32768xf32>
    %swap3A_389 = arith.index_cast %rem3A_2 : i32 to index
    %swap3A_390 = arith.constant 491520 : index
    %swap3A_391 = vector.load %arg20[%swap3A_389, %swap3A_390] : memref<8x524288xf32, #tpu.memory_space<vmem>>, vector<1x32768xf32>
    %swap3A_392 = vector.shape_cast %swap3A_391 : vector<1x32768xf32> to vector<32768xf32>
    %swap3A_393 = vector.shape_cast %reshape3A_388 : vector<32768xf32> to vector<1x32768xf32>
    tpu.vector_store %arg20[%swap3A_389, %swap3A_390], %swap3A_393 {strides = array<i32>} : memref<8x524288xf32, #tpu.memory_space<vmem>>, vector<1x32768xf32>,
    %mul3A_394 = arith.constant 524288 : i32
    %mul3A_395 = arith.muli %arg0, %mul3A_394 : i32
    %dma_start3A = tpu.memref_slice %arg21[%rem3A_2] : memref<8x!tpu.dma_semaphore, #tpu.memory_space<semaphore_mem>> -> memref<1x!tpu.dma_semaphore, #tpu.memory_space<semaphore_mem>>
    %dma_start3A_396 = tpu.memref_squeeze %dma_start3A : memref<1x!tpu.dma_semaphore, #tpu.memory_space<semaphore_mem>> -> memref<!tpu.dma_semaphore, #tpu.memory_space<semaphore_mem>>
    %dma_start3A_397 = tpu.memref_slice %arg15[%mul3A_395] : memref<16777216xf32, #tpu.memory_space<any>> -> memref<524288xf32, #tpu.memory_space<any>>
    %dma_start3A_398 = arith.constant 0 : i32
    %dma_start3A_399 = tpu.memref_slice %arg20[%rem3A_2, %dma_start3A_398] : memref<8x524288xf32, #tpu.memory_space<vmem>> -> memref<1x524288xf32, #tpu.memory_space<vmem>>
    %dma_start3A_400 = tpu.memref_squeeze %dma_start3A_399 : memref<1x524288xf32, #tpu.memory_space<vmem>> -> memref<524288xf32, #tpu.memory_space<vmem>>
    tpu.enqueue_dma source(%dma_start3A_400 : memref<524288xf32, #tpu.memory_space<vmem>>) target(%dma_start3A_397 : memref<524288xf32, #tpu.memory_space<any>>) target_semaphore(%dma_start3A_396 : memref<!tpu.dma_semaphore, #tpu.memory_space<semaphore_mem>>)
    %eq3A_401 = arith.constant 31 : i32
    %eq3A_402 = arith.cmpi eq, %arg0, %eq3A_401 : i32
    %convert_element_type3A_403 = arith.extui %eq3A_402 : i1 to i32
    %cond3A_404 = arith.constant 0 : i32
    %cond3A_405 = arith.cmpi ne, %convert_element_type3A_403, %cond3A_404 : i32
    scf.if %cond3A_405 {
      %dma_wait3A = arith.constant 0 : i32
      %dma_wait3A_406 = arith.constant 0 : i32
      %dma_wait3A_407 = tpu.memref_slice %arg21[%dma_wait3A_406] : memref<8x!tpu.dma_semaphore, #tpu.memory_space<semaphore_mem>> -> memref<1x!tpu.dma_semaphore, #tpu.memory_space<semaphore_mem>>
      %dma_wait3A_408 = tpu.memref_squeeze %dma_wait3A_407 : memref<1x!tpu.dma_semaphore, #tpu.memory_space<semaphore_mem>> -> memref<!tpu.dma_semaphore, #tpu.memory_space<semaphore_mem>>
      %dma_wait3A_409 = arith.constant 12582912 : i32
      %dma_wait3A_410 = tpu.memref_slice %arg15[%dma_wait3A_409] : memref<16777216xf32, #tpu.memory_space<any>> -> memref<524288xf32, #tpu.memory_space<any>>
      %dma_wait3A_411 = arith.constant 0 : i32
      %dma_wait3A_412 = tpu.memref_slice %arg20[%dma_wait3A, %dma_wait3A_411] : memref<8x524288xf32, #tpu.memory_space<vmem>> -> memref<1x524288xf32, #tpu.memory_space<vmem>>
      %dma_wait3A_413 = tpu.memref_squeeze %dma_wait3A_412 : memref<1x524288xf32, #tpu.memory_space<vmem>> -> memref<524288xf32, #tpu.memory_space<vmem>>
      tpu.wait_dma2 semaphore(%dma_wait3A_408 : memref<!tpu.dma_semaphore, #tpu.memory_space<semaphore_mem>>) src(%dma_wait3A_413 : memref<524288xf32, #tpu.memory_space<vmem>>) dst(%dma_wait3A_410 : memref<524288xf32, #tpu.memory_space<any>>)
      %dma_wait3A_414 = arith.constant 1 : i32
      %dma_wait3A_415 = arith.constant 1 : i32
      %dma_wait3A_416 = tpu.memref_slice %arg21[%dma_wait3A_415] : memref<8x!tpu.dma_semaphore, #tpu.memory_space<semaphore_mem>> -> memref<1x!tpu.dma_semaphore, #tpu.memory_space<semaphore_mem>>
      %dma_wait3A_417 = tpu.memref_squeeze %dma_wait3A_416 : memref<1x!tpu.dma_semaphore, #tpu.memory_space<semaphore_mem>> -> memref<!tpu.dma_semaphore, #tpu.memory_space<semaphore_mem>>
      %dma_wait3A_418 = arith.constant 13107200 : i32
      %dma_wait3A_419 = tpu.memref_slice %arg15[%dma_wait3A_418] : memref<16777216xf32, #tpu.memory_space<any>> -> memref<524288xf32, #tpu.memory_space<any>>
      %dma_wait3A_420 = arith.constant 0 : i32
      %dma_wait3A_421 = tpu.memref_slice %arg20[%dma_wait3A_414, %dma_wait3A_420] : memref<8x524288xf32, #tpu.memory_space<vmem>> -> memref<1x524288xf32, #tpu.memory_space<vmem>>
      %dma_wait3A_422 = tpu.memref_squeeze %dma_wait3A_421 : memref<1x524288xf32, #tpu.memory_space<vmem>> -> memref<524288xf32, #tpu.memory_space<vmem>>
      tpu.wait_dma2 semaphore(%dma_wait3A_417 : memref<!tpu.dma_semaphore, #tpu.memory_space<semaphore_mem>>) src(%dma_wait3A_422 : memref<524288xf32, #tpu.memory_space<vmem>>) dst(%dma_wait3A_419 : memref<524288xf32, #tpu.memory_space<any>>)
      %dma_wait3A_423 = arith.constant 2 : i32
      %dma_wait3A_424 = arith.constant 2 : i32
      %dma_wait3A_425 = tpu.memref_slice %arg21[%dma_wait3A_424] : memref<8x!tpu.dma_semaphore, #tpu.memory_space<semaphore_mem>> -> memref<1x!tpu.dma_semaphore, #tpu.memory_space<semaphore_mem>>
      %dma_wait3A_426 = tpu.memref_squeeze %dma_wait3A_425 : memref<1x!tpu.dma_semaphore, #tpu.memory_space<semaphore_mem>> -> memref<!tpu.dma_semaphore, #tpu.memory_space<semaphore_mem>>
      %dma_wait3A_427 = arith.constant 13631488 : i32
      %dma_wait3A_428 = tpu.memref_slice %arg15[%dma_wait3A_427] : memref<16777216xf32, #tpu.memory_space<any>> -> memref<524288xf32, #tpu.memory_space<any>>
      %dma_wait3A_429 = arith.constant 0 : i32
      %dma_wait3A_430 = tpu.memref_slice %arg20[%dma_wait3A_423, %dma_wait3A_429] : memref<8x524288xf32, #tpu.memory_space<vmem>> -> memref<1x524288xf32, #tpu.memory_space<vmem>>
      %dma_wait3A_431 = tpu.memref_squeeze %dma_wait3A_430 : memref<1x524288xf32, #tpu.memory_space<vmem>> -> memref<524288xf32, #tpu.memory_space<vmem>>
      tpu.wait_dma2 semaphore(%dma_wait3A_426 : memref<!tpu.dma_semaphore, #tpu.memory_space<semaphore_mem>>) src(%dma_wait3A_431 : memref<524288xf32, #tpu.memory_space<vmem>>) dst(%dma_wait3A_428 : memref<524288xf32, #tpu.memory_space<any>>)
      %dma_wait3A_432 = arith.constant 3 : i32
      %dma_wait3A_433 = arith.constant 3 : i32
      %dma_wait3A_434 = tpu.memref_slice %arg21[%dma_wait3A_433] : memref<8x!tpu.dma_semaphore, #tpu.memory_space<semaphore_mem>> -> memref<1x!tpu.dma_semaphore, #tpu.memory_space<semaphore_mem>>
      %dma_wait3A_435 = tpu.memref_squeeze %dma_wait3A_434 : memref<1x!tpu.dma_semaphore, #tpu.memory_space<semaphore_mem>> -> memref<!tpu.dma_semaphore, #tpu.memory_space<semaphore_mem>>
      %dma_wait3A_436 = arith.constant 14155776 : i32
      %dma_wait3A_437 = tpu.memref_slice %arg15[%dma_wait3A_436] : memref<16777216xf32, #tpu.memory_space<any>> -> memref<524288xf32, #tpu.memory_space<any>>
      %dma_wait3A_438 = arith.constant 0 : i32
      %dma_wait3A_439 = tpu.memref_slice %arg20[%dma_wait3A_432, %dma_wait3A_438] : memref<8x524288xf32, #tpu.memory_space<vmem>> -> memref<1x524288xf32, #tpu.memory_space<vmem>>
      %dma_wait3A_440 = tpu.memref_squeeze %dma_wait3A_439 : memref<1x524288xf32, #tpu.memory_space<vmem>> -> memref<524288xf32, #tpu.memory_space<vmem>>
      tpu.wait_dma2 semaphore(%dma_wait3A_435 : memref<!tpu.dma_semaphore, #tpu.memory_space<semaphore_mem>>) src(%dma_wait3A_440 : memref<524288xf32, #tpu.memory_space<vmem>>) dst(%dma_wait3A_437 : memref<524288xf32, #tpu.memory_space<any>>)
      %dma_wait3A_441 = arith.constant 4 : i32
      %dma_wait3A_442 = arith.constant 4 : i32
      %dma_wait3A_443 = tpu.memref_slice %arg21[%dma_wait3A_442] : memref<8x!tpu.dma_semaphore, #tpu.memory_space<semaphore_mem>> -> memref<1x!tpu.dma_semaphore, #tpu.memory_space<semaphore_mem>>
      %dma_wait3A_444 = tpu.memref_squeeze %dma_wait3A_443 : memref<1x!tpu.dma_semaphore, #tpu.memory_space<semaphore_mem>> -> memref<!tpu.dma_semaphore, #tpu.memory_space<semaphore_mem>>
      %dma_wait3A_445 = arith.constant 14680064 : i32
      %dma_wait3A_446 = tpu.memref_slice %arg15[%dma_wait3A_445] : memref<16777216xf32, #tpu.memory_space<any>> -> memref<524288xf32, #tpu.memory_space<any>>
      %dma_wait3A_447 = arith.constant 0 : i32
      %dma_wait3A_448 = tpu.memref_slice %arg20[%dma_wait3A_441, %dma_wait3A_447] : memref<8x524288xf32, #tpu.memory_space<vmem>> -> memref<1x524288xf32, #tpu.memory_space<vmem>>
      %dma_wait3A_449 = tpu.memref_squeeze %dma_wait3A_448 : memref<1x524288xf32, #tpu.memory_space<vmem>> -> memref<524288xf32, #tpu.memory_space<vmem>>
      tpu.wait_dma2 semaphore(%dma_wait3A_444 : memref<!tpu.dma_semaphore, #tpu.memory_space<semaphore_mem>>) src(%dma_wait3A_449 : memref<524288xf32, #tpu.memory_space<vmem>>) dst(%dma_wait3A_446 : memref<524288xf32, #tpu.memory_space<any>>)
      %dma_wait3A_450 = arith.constant 5 : i32
      %dma_wait3A_451 = arith.constant 5 : i32
      %dma_wait3A_452 = tpu.memref_slice %arg21[%dma_wait3A_451] : memref<8x!tpu.dma_semaphore, #tpu.memory_space<semaphore_mem>> -> memref<1x!tpu.dma_semaphore, #tpu.memory_space<semaphore_mem>>
      %dma_wait3A_453 = tpu.memref_squeeze %dma_wait3A_452 : memref<1x!tpu.dma_semaphore, #tpu.memory_space<semaphore_mem>> -> memref<!tpu.dma_semaphore, #tpu.memory_space<semaphore_mem>>
      %dma_wait3A_454 = arith.constant 15204352 : i32
      %dma_wait3A_455 = tpu.memref_slice %arg15[%dma_wait3A_454] : memref<16777216xf32, #tpu.memory_space<any>> -> memref<524288xf32, #tpu.memory_space<any>>
      %dma_wait3A_456 = arith.constant 0 : i32
      %dma_wait3A_457 = tpu.memref_slice %arg20[%dma_wait3A_450, %dma_wait3A_456] : memref<8x524288xf32, #tpu.memory_space<vmem>> -> memref<1x524288xf32, #tpu.memory_space<vmem>>
      %dma_wait3A_458 = tpu.memref_squeeze %dma_wait3A_457 : memref<1x524288xf32, #tpu.memory_space<vmem>> -> memref<524288xf32, #tpu.memory_space<vmem>>
      tpu.wait_dma2 semaphore(%dma_wait3A_453 : memref<!tpu.dma_semaphore, #tpu.memory_space<semaphore_mem>>) src(%dma_wait3A_458 : memref<524288xf32, #tpu.memory_space<vmem>>) dst(%dma_wait3A_455 : memref<524288xf32, #tpu.memory_space<any>>)
      %dma_wait3A_459 = arith.constant 6 : i32
      %dma_wait3A_460 = arith.constant 6 : i32
      %dma_wait3A_461 = tpu.memref_slice %arg21[%dma_wait3A_460] : memref<8x!tpu.dma_semaphore, #tpu.memory_space<semaphore_mem>> -> memref<1x!tpu.dma_semaphore, #tpu.memory_space<semaphore_mem>>
      %dma_wait3A_462 = tpu.memref_squeeze %dma_wait3A_461 : memref<1x!tpu.dma_semaphore, #tpu.memory_space<semaphore_mem>> -> memref<!tpu.dma_semaphore, #tpu.memory_space<semaphore_mem>>
      %dma_wait3A_463 = arith.constant 15728640 : i32
      %dma_wait3A_464 = tpu.memref_slice %arg15[%dma_wait3A_463] : memref<16777216xf32, #tpu.memory_space<any>> -> memref<524288xf32, #tpu.memory_space<any>>
      %dma_wait3A_465 = arith.constant 0 : i32
      %dma_wait3A_466 = tpu.memref_slice %arg20[%dma_wait3A_459, %dma_wait3A_465] : memref<8x524288xf32, #tpu.memory_space<vmem>> -> memref<1x524288xf32, #tpu.memory_space<vmem>>
      %dma_wait3A_467 = tpu.memref_squeeze %dma_wait3A_466 : memref<1x524288xf32, #tpu.memory_space<vmem>> -> memref<524288xf32, #tpu.memory_space<vmem>>
      tpu.wait_dma2 semaphore(%dma_wait3A_462 : memref<!tpu.dma_semaphore, #tpu.memory_space<semaphore_mem>>) src(%dma_wait3A_467 : memref<524288xf32, #tpu.memory_space<vmem>>) dst(%dma_wait3A_464 : memref<524288xf32, #tpu.memory_space<any>>)
      %dma_wait3A_468 = arith.constant 7 : i32
      %dma_wait3A_469 = arith.constant 7 : i32
      %dma_wait3A_470 = tpu.memref_slice %arg21[%dma_wait3A_469] : memref<8x!tpu.dma_semaphore, #tpu.memory_space<semaphore_mem>> -> memref<1x!tpu.dma_semaphore, #tpu.memory_space<semaphore_mem>>
      %dma_wait3A_471 = tpu.memref_squeeze %dma_wait3A_470 : memref<1x!tpu.dma_semaphore, #tpu.memory_space<semaphore_mem>> -> memref<!tpu.dma_semaphore, #tpu.memory_space<semaphore_mem>>
      %dma_wait3A_472 = arith.constant 16252928 : i32
      %dma_wait3A_473 = tpu.memref_slice %arg15[%dma_wait3A_472] : memref<16777216xf32, #tpu.memory_space<any>> -> memref<524288xf32, #tpu.memory_space<any>>
      %dma_wait3A_474 = arith.constant 0 : i32
      %dma_wait3A_475 = tpu.memref_slice %arg20[%dma_wait3A_468, %dma_wait3A_474] : memref<8x524288xf32, #tpu.memory_space<vmem>> -> memref<1x524288xf32, #tpu.memory_space<vmem>>
      %dma_wait3A_476 = tpu.memref_squeeze %dma_wait3A_475 : memref<1x524288xf32, #tpu.memory_space<vmem>> -> memref<524288xf32, #tpu.memory_space<vmem>>
      tpu.wait_dma2 semaphore(%dma_wait3A_471 : memref<!tpu.dma_semaphore, #tpu.memory_space<semaphore_mem>>) src(%dma_wait3A_476 : memref<524288xf32, #tpu.memory_space<vmem>>) dst(%dma_wait3A_473 : memref<524288xf32, #tpu.memory_space<any>>)
    } else {
    }
    return
  }
  func.func @transform_0(%arg0: i32) -> (i32, i32) {
    %c0_i32 = arith.constant 0 : i32
    %c0_i32_0 = arith.constant 0 : i32
    %c0_i32_1 = arith.constant 0 : i32
    return %c0_i32, %c0_i32_0 : i32, i32
  }
  func.func @transform_1(%arg0: i32) -> (i32, i32) {
    %c0_i32 = arith.constant 0 : i32
    %c0_i32_0 = arith.constant 0 : i32
    %c0_i32_1 = arith.constant 0 : i32
    return %c0_i32, %c0_i32_0 : i32, i32
  }
  func.func @transform_2(%arg0: i32) -> (i32, i32) {
    %c0_i32 = arith.constant 0 : i32
    %c0_i32_0 = arith.constant 0 : i32
    %c0_i32_1 = arith.constant 0 : i32
    return %c0_i32, %c0_i32_0 : i32, i32
  }
  func.func @transform_3(%arg0: i32) -> (i32, i32) {
    %c0_i32 = arith.constant 0 : i32
    %c0_i32_0 = arith.constant 0 : i32
    %c0_i32_1 = arith.constant 0 : i32
    return %c0_i32, %c0_i32_0 : i32, i32
  }
  func.func @transform_4(%arg0: i32) -> (i32, i32) {
    %c0_i32 = arith.constant 0 : i32
    %c0_i32_0 = arith.constant 0 : i32
    %c0_i32_1 = arith.constant 0 : i32
    return %c0_i32, %c0_i32_0 : i32, i32
  }
  func.func @transform_5(%arg0: i32) -> (i32, i32) {
    %c0_i32 = arith.constant 0 : i32
    %c0_i32_0 = arith.constant 0 : i32
    %c0_i32_1 = arith.constant 0 : i32
    return %c0_i32, %c0_i32_0 : i32, i32
  }
  func.func @transform_6(%arg0: i32) -> (i32, i32) {
    %c0_i32 = arith.constant 0 : i32
    %c0_i32_0 = arith.constant 0 : i32
    %c0_i32_1 = arith.constant 0 : i32
    return %c0_i32, %c0_i32_0 : i32, i32
  }
  func.func @transform_7(%arg0: i32) -> (i32, i32) {
    %c0_i32 = arith.constant 0 : i32
    %c0_i32_0 = arith.constant 0 : i32
    %c0_i32_1 = arith.constant 0 : i32
    return %c0_i32, %c0_i32_0 : i32, i32
  }
  func.func @transform_8(%arg0: i32) -> (i32, i32) {
    %c0_i32 = arith.constant 0 : i32
    %c0_i32_0 = arith.constant 0 : i32
    %c0_i32_1 = arith.constant 0 : i32
    return %c0_i32, %c0_i32_0 : i32, i32
  }
  func.func @transform_9(%arg0: i32) -> (i32, i32) {
    %c0_i32 = arith.constant 0 : i32
    %c0_i32_0 = arith.constant 0 : i32
    %c0_i32_1 = arith.constant 0 : i32
    return %c0_i32, %c0_i32_0 : i32, i32
  }
  func.func @transform_10(%arg0: i32) -> (i32, i32) {
    %c0_i32 = arith.constant 0 : i32
    %c0_i32_0 = arith.constant 0 : i32
    %c0_i32_1 = arith.constant 0 : i32
    return %c0_i32, %c0_i32_0 : i32, i32
  }
  func.func @transform_11(%arg0: i32) -> (i32, i32) {
    %c0_i32 = arith.constant 0 : i32
    %c0_i32_0 = arith.constant 0 : i32
    %c0_i32_1 = arith.constant 0 : i32
    return %c0_i32, %c0_i32_0 : i32, i32
  }
  func.func @transform_12(%arg0: i32) -> (i32, i32) {
    %c0_i32 = arith.constant 0 : i32
    %c0_i32_0 = arith.constant 0 : i32
    %c0_i32_1 = arith.constant 0 : i32
    return %c0_i32, %c0_i32_0 : i32, i32
  }
  func.func @transform_13(%arg0: i32) -> (i32, i32) {
    %c0_i32 = arith.constant 0 : i32
    %c0_i32_0 = arith.constant 0 : i32
    %c0_i32_1 = arith.constant 0 : i32
    return %c0_i32, %c0_i32_0 : i32, i32
  }
}

</mosaic_0001>

<sc_bundles>
// kernel: sparse-core-data-format-call.cloned.1.call-start
scs
called_computation_lowered:
.L_overlay_start_0:
0x0: {  	s2 =	sld [smem:$0x3FD9]  }
0x1: {  	s3 =	sld [smem:$0x3FFE];
	_ =	sdelay $0x1  }
0x2: {  	s1 =	srdreg.scid  }
0x3: {  	s0 =	sand.u32 $0x1, s1  }
0x4: {  	s18 =	sshll.u32 s0, $0xA;
	s2 =	sadd.s32 s3, s2  }
0x5: {  	s2 =	sadd.s32 s2, s18  }
0x6: {  	[smem:$0x3FBB] =	sst s2  }
0x7: {  	_ = 	snop  }
0x8: {  	s2 =	sld [smem:$0x3FD0];
	(tm) =	ssettm $0x1  }
0x9: {  	s19 =	sld [smem:$0x3FFB];
	_ =	sdelay $0x3  }
0xa: {  	_ =	strace s19  }
0xb: {  	s3 =	sld [smem:$0x3FFC];
	_ =	sdelay $0x3  }
0xc: {  	_ =	strace s3  }
0xd: {  	s3 =	sld [smem:$0x3FFD];
	_ =	sdelay $0x3  }
0xe: {  	_ =	strace s3  }
0xf: {  	_ =	strace $0x8FFFFFFF  }
0x10: {  	s20 =	sld [smem:$0x3FDB];
	_ =	sdelay $0x1  }
0x11: {  	s4 =	simm.s32 $_scs_section_size  }
0x12: {  	s5 =	simm.s32 $_size__tile_overlayer_lowered;
	s6 =	simm.s32 $_tile_overlayer_lowered  }
0x13: {  	s23 =	simm.s32 $0x1BFF;
	s22 =	sshll.u32 s6, $0x1;
	s3 =	sadd.s32 s4, s20  }
0x14: {  	s7 =	simm.s32 $0x0;
	s21 =	sshll.u32 s5, $0x1;
	s5 =	sadd.s32 s22, s3  }
0x15: {  	[timem:s7], [sflag:s23] =	dma.local [hbm:s5], s21  }
0x16: {  	_ =	swait.ge [sflag:s23], s21  }
0x17: {  	s4 =	ssub.s32 $0x0, s21;
	[sflag:s23] =	ssyncset.done $0x0  }
0x18: {  	[sflag:s23] =	ssyncadd.s32 s4;
	_ =	sdelay $0x1  }
0x19: {  	s24 =	simm.s32 $0x1B8B  }
0x1a: {  	_ =	swait.ge [sflag:s24], $0x1  }
0x1b: {  	[sflag:s24] =	ssyncset.done $0x0  }
0x1c: {  	s26 =	simm.s32 $0x1B8E;
	s25 =	sld [smem:$0x3FFE];
	[sflag:s24] =	ssyncadd.s32 $0xFFFFFFFF  }
0x1d: {  	s27 =	simm.s32 $execute0_lowered;
	[smem:$0x3FD2] =	sst s26  }
0x1e: {  	s5 =	sshll.u32 s27, $0x1;
	_ =	strace $0x80000046;
	[dreg:$0x1] =	wrdreg $0xFFFFFFFF  }
0x1f: {  	s28 =	simm.s32 $_size_execute0_lowered;
	s3 =	sadd.s32 s3, s5;
	[dreg:$0x0] =	wrdreg $0x0  }
0x20: {  	s5 =	sshll.u32 s28, $0x1;
	[dreg:$0x2] =	wrdreg s3  }
0x21: {  	[dreg:$0x3] =	wrdreg s5  }
0x22: {  	[dreg:$0x4] =	wrdreg $0xC0  }
0x23: {  	_ =	task [dreg:s7], $0x5FFFF  }
0x24: {  	[dreg:$0x1] =	wrdreg $0xFFFFFFFF  }
0x25: {  	[dreg:$0x0] =	wrdreg $0x60  }
0x26: {  	[dreg:$0x2] =	wrdreg s25  }
0x27: {  	[dreg:$0x3] =	wrdreg s2  }
0x28: {  	[dreg:$0x4] =	wrdreg $0x9  }
0x29: {  	_ =	task.clear_ibuf [dreg:s7], $0x5FFFF;
	_ =	strace $0x90000046  }
0x2a: {  	s29 =	simm.s32 $0x9;
	_ =	strace $0x80000048  }
0x2b: {  	_ =	swait.ge [sflag:s29], $0x1  }
0x2c: {  	[sflag:s29] =	ssyncadd.s32 $0xFFFFFFFF  }
0x2d: {  	_ =	strace $0x90000048  }
0x2e: {  	_ =	sfence  }
0x2f: {  	s30 =	sld [smem:$0x0];
	_ =	sdelay $0x2  }
0x30: {  	s31 =	sshll.u32 s1, $0xD;
	s1 =	sshrl.u32 s1, $0x2  }
0x31: {  	s3 =	sand.u32 $0x4000, s31;
	s1 =	sadd.s32 s1, s30  }
0x32: {  	s0 =	sor.u32 s3, s0;
	s1 =	sshll.u32 s1, $0x11  }
0x33: {  	s0 =	sor.u32 s1, s0  }
0x34: {  	s0 =	sadd.s32 $0x8F2B, s0  }
0x35: {  	[sflag:s0] =	ssyncadd.remote.s32 $0x1  }
0x36: {  	_ =	sfence.sel $0xFFFF  }
0x37: {  	[dreg:$0x0] =	wrdreg $0xFFFFFFFF;
	(pc) =	sbr.abs _section_cstart, $3  }
0x38: {  	[dreg:$0x1] =	wrdreg $0xFFFFFFFF  }
0x39: {  	_ =	task.clear_ibuf [dreg:s7], $0x2FFFF;
	_ =	strace $0x9FFFFFFF  }
0x3a: {  	(tm) =	ssettm $0x7FFFFFFF  }
0x3b: {  	_ =	shalt  }
tec
execute0_lowered:
.L_overlay_start_1:
0x0: {  	(tag) =	ssettag $0x1  }
0x1: {  	s0 =	srdreg.scid  }
0x2: {  	s7 =	rddreg [dreg:$0x0];
	s1 =	sshll.u32 s0, $0x4  }
0x3: {  	s3 =	rddreg [dreg:$0x1];
	s0 =	stileid.u32;
	s1 =	sand.u32 $0x10, s1  }
0x4: {  	s6 =	simm.s32 $0x1;
	s31 =	simm.s32 $0x2;
	s1 =	sor.u32 s0, s1  }
0x5: {  	s13 =	simm.s32 $0x0;
	s9 =	simm.s32 $0x1000;
	s2 =	sshll.u32 s1, $0x1  }
0x6: {  	s14 =	simm.s32 $0x0;
	s10 =	simm.s32 $0x0;
	s4 =	ssub.s32 $0x200, s2  }
0x7: {  	s12 =	simm.s32 $0x0;
	s1 =	rddreg [dreg:$0x2];
	s5 =	sand.u32 $0x3E, s4  }
.Ltmp0:
0x8: {  	_ =	strace $0x80000047;
	p0 =	sne.s32 s5, $0x0;
	(pc) =	sbr.rel .LBB1_1-.Ltmp0, $4  }
0x9: {  	s11 =	smov.u32 s2;
	s8 =	sshrl.u32 s4, $0x6;
	s6 =	simm.s32 @!p0 $0x0  }
0xa: {  	s4 =	sadd.s32 $0x1600, s7;
	s5 =	simm.s32 $0x1;
	s6 =	sadd.s32 s6, s8  }
0xb: {  	s7 =	sadd.s32 $0x3600, s7;
	[sflag:s5] =	ssyncpa.u1 $0x0;
	s6 =	sshll.u32 s6, $0x2  }
0xc: {  	p0 =	por $0x0, $0x0;
	[sflag:s31] =	ssyncpa.u1 $0x0;
	s8 =	sor.u32 $0x1, s6  }
.LBB1_7:
0xd: {  	s15 =	sadd.s32 $0x80, s10  }
0xe: {  	s13 =	sadd.s32 $0x40, s11;
	s17 =	smov.u32 s11;
	p2 =	sgt.s32 s15, $0x1FF  }
0xf: {  	s17 =	smov.u32 @p2 s13  }
0x10: {  	s15 =	simm.s32 @p2 $0x0;
	p2 =	sgt.s32 s17, $0x1FF  }
0x11: {  	s17 =	smov.u32 @p2 s2;
	p2 =	sne.s32 s12, s8  }
.Ltmp1:
0x12: {  	p1 =	slt.u32 s12, $0x2;
	(pc) =	sbr.rel @!p2 .LBB1_8-.Ltmp1, $4  }
0x13: {  	s16 =	simm.s32 @!p1 $0x2  }
0x14: {  	s14 =	smov.u32 s11;
	p0 =	por !p0, !p0;
	_ =	swait.ge @!p1 [sflag:s16], $0x4000  }
0x15: {  	s13 =	smov.u32 s10;
	[sflag:s16] =	ssyncset.done @!p1 $0x0;
	s10 =	smov.u32 s15  }
0x16: {  	s12 =	sadd.s32 $0x1, s12;
	[sflag:s16] =	ssyncadd.s32 @!p1 $0xFFFFC000;
	s11 =	smov.u32 s17  }
.LBB1_1:
0x17: {  	p1 =	sge.u32 s12, s6  }
0x18: {  	s15 =	sxor.u32 @!p1 $0xFFFFFFFF, s12;
	s16 =	sshll.u32 @!p1 s11, $0xD  }
0x19: {  	s17 =	sshll.u32 @!p1 s10, $0x4;
	s19 =	simm.s32 @!p1 $0x40;
	s20 =	simm.s32 @!p1 $0x80  }
0x1a: {  	s15 =	sshll.u32 @!p1 s15, $0xE;
	s17 =	sand.u32 @!p1 $0x1FF0, s17;
	s18 =	sadd.s32 @!p1 s4, s16  }
0x1b: {  	s16 =	sadd.s32 @!p1 s16, s7;
	s15 =	sand.u32 @!p1 $0x4000, s15;
	s18 =	sadd.s32 @!p1 s17, s18  }
0x1c: {  	[tilespmem:s15], [sflag:$0x1] =	stream.strided.gather @!p1 [hbm4b:s18+s19], $0x2000, s20, s19, $0x38;
	[tilespmem:$0x10100] =	vst v63  }
0x1d: {  	s31 =	sadd.s32 $0xFFFFFFFF, s12;
	s16 =	sadd.s32 @!p1 s17, s16;
	s15 =	sor.u32 @!p1 $0x2000, s15  }
0x1e: {  	[tilespmem:s15], [sflag:$0x1] =	stream.strided.gather @!p1 [hbm4b:s16+s19], $0x2000, s20, s19, $0x38;
	[tilespmem:$0x10100] =	vst v63  }
0x1f: {  	p1 =	sge.u32 s31, s6  }
.Ltmp2:
0x20: {  	_ = 	snop;
	(pc) =	sbr.rel @p1 .LBB1_7-.Ltmp2, $1  }
0x21: {  	_ =	sdelay $0x3  }
0x22: {  	s15 =	simm.s32 $0x1;
	s17 =	sand.u32 $0x1, s12  }
0x23: {  	_ =	swait.ge [sflag:s5], $0x4000;
	s15 =	simm.s32 @!p0 $0x0;
	s17 =	smul.u32 $0x10200, s17  }
0x24: {  	p2 =	por $0x1, $0x1;
	[sflag:s5] =	ssyncset.done $0x0;
	s16 =	smul.u32 $0x10200, s15  }
0x25: {  	s18 =	sshll.u32 s15, $0x10;
	[sflag:s5] =	ssyncadd.s32 $0xFFFFC000;
	s30 =	sshrl.u32 s17, $0x2  }
0x26: {  	s31 =	sshrl.u32 s18, $0x2;
	s18 =	simm.s32 $0x0;
	s16 =	sshrl.u32 s16, $0x2  }
0x27: {  	s15 =	sor.u32 $0x8000, s30;
	s17 =	sadd.s32 $0x20, s31;
	s16 =	sor.u32 $0x8000, s16  }
.LBB1_3:
0x28: {  	s19 =	sshll.u32 s18, $0xD  }
0x29: {  	s19 =	sand.u32 $0x3FFFE000, s19  }
0x2a: {  	s21 =	sadd.s32 s19, s17  }
0x2b: {  	s31 =	smul.u32 $0x8100, s18;
	v3 =	vld [tilespmem:s21+$0x10]  }
0x2c: {  	v1 =	vld [tilespmem:s21+$0xFFFFFFF0]  }
0x2d: {  	s18 =	sshra.s32 s31, $0x2;
	v0 =	vld [tilespmem:s21+$0x0]  }
0x2e: {  	s18 =	sadd.s32 s18, s16;
	v2 =	vld [tilespmem:s21+$0xFFFFFFE0]  }
0x2f: {  	s19 =	sadd.s32 $0x0, s18  }
0x30: {  	p1 =	por p2, p2;
	s20 =	simm.s32 $0x4;
	s21 =	sadd.s32 $0x40, s21;
	[tilespmem:s19+$0x1830 ss:$0x81] =	vst.msk $0xffff, v3  }
.LBB1_4:
0x31: {  	v3 =	vld [tilespmem:s21+$0x10];
	p2 =	sne.s32 s20, $0x1FC;
	[tilespmem:s19+$0x810 ss:$0x81] =	vst.msk $0xffff, v1;
	s22 =	smov.u32 s20;
	s20 =	sadd.s32 $0x4, s20  }
.Ltmp3:
0x32: {  	v1 =	vld [tilespmem:s21+$0xFFFFFFF0];
	[tilespmem:s19+$0x1020 ss:$0x81] =	vst.msk $0xffff, v0;
	(pc) =	sbr.rel @p2 .LBB1_4-.Ltmp3, $4  }
0x33: {  	v0 =	vld [tilespmem:s21+$0x0];
	[tilespmem:s19+$0x0 ss:$0x81] =	vst.msk $0xffff, v2  }
0x34: {  	s19 =	sshra.s32 s22, $0x2;
	v2 =	vld [tilespmem:s21+$0xFFFFFFE0]  }
0x35: {  	s19 =	sadd.s32 s19, s18  }
0x36: {  	s21 =	sadd.s32 $0x40, s21;
	[tilespmem:s19+$0x1830 ss:$0x81] =	vst.msk $0xffff, v3  }
.Ltmp4:
0x37: {  	(pc) =	sbr.rel @p1 .LBB1_3-.Ltmp4, $4  }
0x38: {  	_ = 	snop  }
0x39: {  	[tilespmem:s19+$0x810 ss:$0x81] =	vst.msk $0xffff, v1  }
0x3a: {  	[tilespmem:s19+$0x1020 ss:$0x81] =	vst.msk $0xffff, v0  }
0x3b: {  	s18 =	simm.s32 $0x1;
	p2 =	por $0x0, $0x0;
	[tilespmem:s19+$0x0 ss:$0x81] =	vst.msk $0xffff, v2  }
.Ltmp5:
0x3c: {  	s16 =	sand.u32 $0xF80, s13;
	s14 =	sshll.u32 s14, $0xC;
	(pc) =	sbr.rel .LBB1_7-.Ltmp5, $4  }
0x3d: {  	s17 =	sshrl.u32 s13, $0x3;
	s31 =	sand.u32 $0x7, s13;
	s14 =	sadd.s32 s3, s14  }
0x3e: {  	s17 =	sand.u32 $0xF, s17;
	s13 =	sshll.u32 s31, $0x12;
	s14 =	sadd.s32 s16, s14  }
0x3f: {  	s13 =	sor.u32 $0x400, s13;
	s14 =	sadd.s32 s17, s14  }
0x40: {  	[hbm4b:s14+s13] =	stream.strided.scatter [tilespmem:s15], [sflag:$0x2], $0x4000, s9, s13, $0x20;
	[tilespmem:$0x10100] =	vst v63  }
.LBB1_8:
0x41: {  	_ =	sfence.sel $0x180000  }
0x42: {  	s2 =	simm.s32 $0x1;
	[bflag:$0x0] =	sbarrier.arrive $0xFFFF  }
0x43: {  	s31 =	simm.s32 $0x2;
	[sflag:s2] =	ssyncpa.u1 $0x1  }
0x44: {  	[sflag:s31] =	ssyncpa.u1 $0x1  }
0x45: {  	p0 =	sne.s32 s0, $0x0;
	_ =	strace $0x90000047  }
0x46: {  	s0 =	sadd.s32 @!p0 $0x100000, s1;
	[bflag:$0x2] =	sbarrier.arrive $0xFFFF  }
0x47: {  	[sflag:s0] =	ssyncadd.tile.s32 @!p0 $0x1;
	_ =	shalt  }
.Lfunc_end1:
_tile_overlayer_lowered:
.L_overlay_start_2:
0x48: {  	(tag) =	ssettag $0x2  }
0x49: {  	s0 =	rddreg [dreg:$0x0];
	s2 =	stileid.u32  }
0x4a: {  	s1 =	rddreg [dreg:$0x1];
	p0 =	sne.s32 s2, $0x0  }
0x4b: {  	s3 =	rddreg [dreg:$0x2];
	[bflag:$0x3] =	sbarrier.arrive $0xFFFF;
	s2 =	simm.s32 @!p0 $0x1C01  }
0x4c: {  	[timem:s3], [sflag:s2] =	dma.local @!p0 [hbm:s0], s1  }
0x4d: {  	s0 =	simm.s32 @!p0 $0x1  }
0x4e: {  	_ =	swait.ge @!p0 [sflag:s0], s1  }
0x4f: {  	s1 =	ssub.s32 @!p0 $0x0, s1;
	[sflag:s0] =	ssyncset.done @!p0 $0x0  }
0x50: {  	[sflag:s0] =	ssyncadd.s32 @!p0 s1  }
0x51: {  	[bflag:$0x3] =	sbarrier.arrive $0xFFFF  }
0x52: {  	_ =	shalt  }

</sc_bundles>
